<compile_context>
chip_gen: v7x
topology: tpu7x:2x2x1
jax: 0.10.2.dev20260603
libtpu: 0.0.44.dev20260713+nightly
codegen_flags: <defaults>
</compile_context>

<pallas_src>
import functools

import jax
import jax.numpy as jnp
from jax import lax
from jax.experimental import pallas as pl
from jax.experimental.pallas import tpu as pltpu
from jax.experimental.pallas import tpu_sc as plsc

_EMBED = 64
_G = 101
_REC = 50
_TAU = 0.8
_NC = 2
_NS = 16
_NW = _NC * _NS
_K = 56
_RPC = 4


def _sc_gather(uid, iid, ur_idx, ir_idx, user_tab, item_tab):
    B = uid.shape[0]
    rpw = B // _NW
    D = _EMBED
    K = _K
    nch = rpw // _RPC
    crows = _RPC * K
    f32 = jnp.float32
    mesh = plsc.VectorSubcoreMesh(
        core_axis_name="c", subcore_axis_name="s",
        num_cores=_NC, num_subcores=_NS)

    @functools.partial(
        pl.kernel,
        out_type=(jax.ShapeDtypeStruct((B, D), jnp.bfloat16),
                  jax.ShapeDtypeStruct((B, D), jnp.bfloat16),
                  jax.ShapeDtypeStruct((B, D), f32),
                  jax.ShapeDtypeStruct((B, D), f32)),
        mesh=mesh,
        compiler_params=pltpu.CompilerParams(
            use_tc_tiling_on_sc=False, needs_layout_passes=False),
        scratch_types=[
            pltpu.VMEM((rpw,), jnp.int32),
            pltpu.VMEM((rpw,), jnp.int32),
            pltpu.VMEM((rpw, D), jnp.bfloat16),
            pltpu.VMEM((rpw, D), jnp.bfloat16),
            pltpu.VMEM((rpw * K,), jnp.int32),
            pltpu.VMEM((rpw * K,), jnp.int32),
            pltpu.VMEM((crows, D), jnp.bfloat16),
            pltpu.VMEM((crows, D), jnp.bfloat16),
            pltpu.VMEM((crows, D), jnp.bfloat16),
            pltpu.VMEM((crows, D), jnp.bfloat16),
            pltpu.VMEM((rpw, D), f32),
            pltpu.VMEM((rpw, D), f32),
            pltpu.SemaphoreType.DMA,
            pltpu.SemaphoreType.DMA,
            pltpu.SemaphoreType.DMA,
            pltpu.SemaphoreType.DMA,
            pltpu.SemaphoreType.DMA,
            pltpu.SemaphoreType.DMA,
        ],
    )
    def k(uid_h, iid_h, ur_h, ir_h, utab_h, itab_h, ue_o, ie_o, urs_o, irs_o,
          idxu_v, idxi_v, rowsu_v, rowsi_v, idxa_v, idxb_v,
          bufa0_v, bufa1_v, bufb0_v, bufb1_v, acca_v, accb_v,
          semu, semi, sema0, sema1, semb0, semb1):
        wid = lax.axis_index("s") * _NC + lax.axis_index("c")
        base = wid * rpw

        pltpu.sync_copy(uid_h.at[pl.ds(base, rpw)], idxu_v)
        pltpu.sync_copy(iid_h.at[pl.ds(base, rpw)], idxi_v)
        pltpu.sync_copy(ur_h.at[pl.ds(base * K, rpw * K)], idxa_v)
        pltpu.sync_copy(ir_h.at[pl.ds(base * K, rpw * K)], idxb_v)

        du = pltpu.async_copy(utab_h.at[idxu_v], rowsu_v, semu)
        di = pltpu.async_copy(itab_h.at[idxi_v], rowsi_v, semi)

        def start(tab_h, idx_v, buf_v, sem, g):
            pltpu.async_copy(
                tab_h.at[idx_v.at[pl.ds(g * crows, crows)]], buf_v, sem)

        def wait(tab_h, idx_v, buf_v, sem):
            pltpu.make_async_copy(
                tab_h.at[idx_v.at[pl.ds(0, crows)]], buf_v, sem).wait()

        def accum(buf_v, acc_v, g):
            def row_body(r, carry):
                accs = tuple(jnp.zeros((16,), f32) for _ in range(D // 16))

                def add8(j, a):
                    out = list(a)
                    for jj in range(8):
                        row = r * K + 8 * j + jj
                        for c in range(2):
                            ab = buf_v[row, pl.ds(32 * c, 32)]
                            lo, hi = plsc.unpack(
                                ab, format=plsc.PackFormat.INTERLEAVED)
                            out[2 * c] = out[2 * c] + lo
                            out[2 * c + 1] = out[2 * c + 1] + hi
                    return tuple(out)

                accs = lax.fori_loop(0, K // 8, add8, accs)
                for c in range(D // 16):
                    acc_v[g * _RPC + r, pl.ds(16 * c, 16)] = accs[c]
                return carry

            lax.fori_loop(0, _RPC, row_body, 0)

        streams = (
            (itab_h, idxa_v, bufa0_v, sema0, acca_v, 0),
            (utab_h, idxb_v, bufb0_v, semb0, accb_v, 0),
            (itab_h, idxa_v, bufa1_v, sema1, acca_v, 1),
            (utab_h, idxb_v, bufb1_v, semb1, accb_v, 1),
        )
        for tab_h, idx_v, buf_v, sem, _, off in streams:
            start(tab_h, idx_v, buf_v, sem, off)

        def chunk_body(t, carry):
            g0 = 2 * t
            for tab_h, idx_v, buf_v, sem, acc_v, off in streams:
                g = g0 + off
                wait(tab_h, idx_v, buf_v, sem)
                accum(buf_v, acc_v, g)

                @pl.when(g + 2 < nch)
                def _():
                    start(tab_h, idx_v, buf_v, sem, g + 2)

            return carry

        lax.fori_loop(0, nch // 2, chunk_body, 0)

        pltpu.sync_copy(acca_v, urs_o.at[pl.ds(base, rpw)])
        pltpu.sync_copy(accb_v, irs_o.at[pl.ds(base, rpw)])
        du.wait()
        di.wait()
        pltpu.sync_copy(rowsu_v, ue_o.at[pl.ds(base, rpw)])
        pltpu.sync_copy(rowsi_v, ie_o.at[pl.ds(base, rpw)])

    return k(uid, iid, ur_idx, ir_idx, user_tab, item_tab)


def _tc_dense(u1c, u2c, i1c, i2c, ue, ie, urs, irs, ur64, ir64, irow0, urow0,
              u_mac, i_mac, uV, iV, uVp, iVp, W1, b1, a1, W2, b2, a2, w3, b3):
    B = ue.shape[0]
    f32 = jnp.float32

    def body(u1c_r, u2c_r, i1c_r, i2c_r, ue_r, ie_r, urs_r, irs_r,
             ur64_r, ir64_r, irow0_r, urow0_r,
             um_r, im_r, uV_r, iV_r, uVp_r, iVp_r,
             W1_r, b1_r, a1_r, W2_r, b2_r, a2_r,
             w3_r, b3_r, out_r):
        dot = functools.partial(jnp.dot, preferred_element_type=f32)

        def w(cref):
            t = jnp.log(cref[...].astype(f32) + 1.0) * (1.0 / _TAU)
            t = t - jnp.max(t, axis=1, keepdims=True)
            e = jnp.exp(t)
            return e / jnp.sum(e, axis=1, keepdims=True)

        cnt_u = jnp.sum(jnp.where(ur64_r[...] == 0, f32(1), f32(0)),
                        axis=1, keepdims=True)
        cnt_i = jnp.sum(jnp.where(ir64_r[...] == 0, f32(1), f32(0)),
                        axis=1, keepdims=True)
        urs_c = urs_r[...] - cnt_u * irow0_r[...]
        irs_c = irs_r[...] - cnt_i * urow0_r[...]

        Vi = dot(im_r[...], iV_r[...])
        Vu = dot(um_r[...], uV_r[...])
        W1v = W1_r[...]
        h = (dot(ue_r[...].astype(f32), W1v[0:64])
             + dot(w(u1c_r), dot(Vi, W1v[64:192]))
             + dot(w(u2c_r), dot(Vu, W1v[192:320]))
             + dot(urs_c, dot(iVp_r[...], W1v[320:448]))
             + dot(ie_r[...].astype(f32), W1v[448:512])
             + dot(w(i1c_r), dot(Vu, W1v[512:640]))
             + dot(w(i2c_r), dot(Vi, W1v[640:768]))
             + dot(irs_c, dot(uVp_r[...], W1v[768:896]))
             + b1_r[...])

        def dice(hx, aref):
            n = hx.shape[0]
            mean = jnp.mean(hx, axis=0, keepdims=True)
            dv = hx - mean
            var = jnp.sum(dv * dv, axis=0, keepdims=True) / (n - 1)
            p = jax.nn.sigmoid(dv / jnp.sqrt(var) + 1e-8)
            return hx * p + aref[...] * hx * (1.0 - p)

        h = dice(h, a1_r)
        h = dice(dot(h, W2_r[...]) + b2_r[...], a2_r)
        logits = jnp.sum(h * w3_r[...], axis=1, keepdims=True) + b3_r[...]
        out_r[...] = jax.nn.sigmoid(logits)

    return pl.pallas_call(
        body, out_shape=jax.ShapeDtypeStruct((B, 1), f32),
    )(u1c, u2c, i1c, i2c, ue, ie, urs, irs, ur64, ir64, irow0, urow0,
      u_mac, i_mac, uV, iV, uVp, iVp, W1, b1, a1, W2, b2, a2, w3, b3)


def kernel(x, user_embed, item_embed, u_macro_embed, i_macro_embed,
           uQ, uK, uV, iQ, iK, iV, W1, b1, alpha1, W2, b2, alpha2, W3, b3):
    G, R = _G, _REC
    uid = x[:, 0]
    u1c = x[:, 1:1 + G]
    u2c = x[:, 1 + G:1 + 2 * G]
    ur = x[:, 1 + 2 * G:1 + 2 * G + R]
    ic = 1 + 2 * G + R
    iid = x[:, ic]
    i1c = x[:, ic + 1:ic + 1 + G]
    i2c = x[:, ic + 1 + G:ic + 1 + 2 * G]
    ir = x[:, ic + 1 + 2 * G:]
    ur64 = jnp.pad(ur, ((0, 0), (0, _K - R))).astype(jnp.int32)
    ir64 = jnp.pad(ir, ((0, 0), (0, _K - R))).astype(jnp.int32)
    bf16 = jnp.bfloat16

    ue, ie, urs, irs = _sc_gather(
        uid.astype(jnp.int32), iid.astype(jnp.int32),
        ur64.reshape(-1), ir64.reshape(-1),
        user_embed.astype(bf16), item_embed.astype(bf16))
    perm = (list(range(0, 32, 2)) + list(range(1, 32, 2))
            + list(range(32, 64, 2)) + list(range(33, 64, 2)))
    perm = jnp.asarray(perm, jnp.int32)
    irow0 = item_embed[0:1].astype(bf16).astype(jnp.float32)[:, perm]
    urow0 = user_embed[0:1].astype(bf16).astype(jnp.float32)[:, perm]
    return _tc_dense(
        u1c, u2c, i1c, i2c, ue, ie, urs, irs,
        ur64, ir64, irow0, urow0,
        u_macro_embed, i_macro_embed, uV, iV,
        jnp.take(uV, perm, axis=0), jnp.take(iV, perm, axis=0),
        W1, b1.reshape(1, -1), alpha1.reshape(1, 1),
        W2, b2.reshape(1, -1), alpha2.reshape(1, 1),
        W3.reshape(1, -1), b3.reshape(1, 1))

# --- scband reference (transcript-rebuilt; emitter-appended) ---
"""Pipeline reference for scband-mac-gnn-17239998726508 (READ-ONLY COPY).

The authoritative reference and input builder live on the scoring server;
editing this copy changes nothing except your own understanding.
"""

import jax, jax.numpy as jnp
import numpy as np
import math

EMBED_DIM = 64
HIDDEN_DIM = 128
U_GROUP = 101
I_GROUP = 101
RECENT = 50
TAU = 0.8
BATCH = 4096
USER_VOCAB = 100000
ITEM_VOCAB = 100000
TOTAL_COLS = 2 + 2 * (U_GROUP + I_GROUP + RECENT)


def xavier(k, shape):
    lim = math.sqrt(6.0 / (shape[0] + shape[1]))
    return jax.random.uniform(k, shape, minval=-lim, maxval=lim, dtype=jnp.float32)


def setup_inputs(seed: int = 0):
    key = jax.random.key(seed)
    ks = jax.random.split(key, 16)
    inp = {}
    inp['x'] = jax.random.randint(ks[0], (BATCH, TOTAL_COLS), 0, 100000)
    inp['user_embed'] = xavier(ks[1], (USER_VOCAB, EMBED_DIM))
    inp['item_embed'] = xavier(ks[2], (ITEM_VOCAB, EMBED_DIM))
    inp['u_macro_embed'] = xavier(ks[3], (U_GROUP, EMBED_DIM))
    inp['i_macro_embed'] = xavier(ks[4], (I_GROUP, EMBED_DIM))
    inp['uQ'] = xavier(ks[5], (EMBED_DIM, HIDDEN_DIM))
    inp['uK'] = xavier(ks[6], (EMBED_DIM, HIDDEN_DIM))
    inp['uV'] = xavier(ks[7], (EMBED_DIM, HIDDEN_DIM))
    inp['iQ'] = xavier(ks[8], (EMBED_DIM, HIDDEN_DIM))
    inp['iK'] = xavier(ks[9], (EMBED_DIM, HIDDEN_DIM))
    inp['iV'] = xavier(ks[10], (EMBED_DIM, HIDDEN_DIM))
    inp['W1'] = xavier(ks[11], (EMBED_DIM * 14, 200))
    inp['b1'] = jnp.zeros((200,), dtype=jnp.float32)
    inp['alpha1'] = jnp.zeros((1,), dtype=jnp.float32)
    inp['W2'] = xavier(ks[12], (200, 80))
    inp['b2'] = jnp.zeros((80,), dtype=jnp.float32)
    inp['alpha2'] = jnp.zeros((1,), dtype=jnp.float32)
    inp['W3'] = xavier(ks[13], (80, 1))
    inp['b3'] = jnp.zeros((1,), dtype=jnp.float32)
    return inp


def _dice(x, alpha):
    avg = jnp.mean(x, axis=0)
    std = jnp.std(x, axis=0, ddof=1)
    norm_x = (x - avg) / std
    p = jax.nn.sigmoid(norm_x + 1e-08)
    return x * p + alpha * x * (1 - p)


def _aggregate(query, key_t, Qw, Kw, Vw):
    trans_Q = query @ Qw
    trans_K = key_t @ Kw
    trans_V = query @ Vw
    score = jax.nn.softmax(jnp.einsum('bld,bmd->blm', trans_Q, trans_K) / math.sqrt(HIDDEN_DIM), axis=-1)
    return trans_V * score


def reference(x, user_embed, item_embed, u_macro_embed, i_macro_embed, uQ, uK, uV, iQ, iK, iV, W1, b1, alpha1, W2, b2, alpha2, W3, b3):
    B = x.shape[0]
    user_embedding = jnp.take(user_embed, x[:, 0], axis=0)
    user_1ord = x[:, 1:1 + I_GROUP]
    user_2ord = x[:, 1 + I_GROUP:1 + I_GROUP + U_GROUP]
    user_recent = x[:, 1 + I_GROUP + U_GROUP:1 + I_GROUP + U_GROUP + RECENT]
    item_col = 1 + I_GROUP + U_GROUP + RECENT
    item_embedding = jnp.take(item_embed, x[:, item_col], axis=0)
    item_1ord = x[:, item_col + 1:item_col + 1 + U_GROUP]
    item_2ord = x[:, item_col + 1 + U_GROUP:item_col + 1 + U_GROUP + I_GROUP]
    item_recent = x[:, item_col + 1 + U_GROUP + I_GROUP:]
    u_slice = jnp.broadcast_to(jnp.arange(U_GROUP)[None, :], (B, U_GROUP))
    i_slice = jnp.broadcast_to(jnp.arange(I_GROUP)[None, :], (B, I_GROUP))
    user_recent_mask = (user_recent > 0).astype(jnp.float32)[..., None]
    item_recent_mask = (item_recent > 0).astype(jnp.float32)[..., None]
    w_u1 = jax.nn.softmax(jnp.log(user_1ord.astype(jnp.float32) + 1.0) / TAU, axis=1)[..., None]
    w_u2 = jax.nn.softmax(jnp.log(user_2ord.astype(jnp.float32) + 1.0) / TAU, axis=1)[..., None]
    w_i1 = jax.nn.softmax(jnp.log(item_1ord.astype(jnp.float32) + 1.0) / TAU, axis=1)[..., None]
    w_i2 = jax.nn.softmax(jnp.log(item_2ord.astype(jnp.float32) + 1.0) / TAU, axis=1)[..., None]
    user_1ord_emb = jnp.take(i_macro_embed, i_slice, axis=0)
    user_2ord_emb = jnp.take(u_macro_embed, u_slice, axis=0)
    item_1ord_emb = jnp.take(u_macro_embed, u_slice, axis=0)
    item_2ord_emb = jnp.take(i_macro_embed, i_slice, axis=0)
    user_recent_emb = jnp.take(item_embed, user_recent, axis=0)
    item_recent_emb = jnp.take(user_embed, item_recent, axis=0)
    u1 = _aggregate(user_1ord_emb, item_embedding[:, None, :], iQ, iK, iV)
    u2 = _aggregate(user_2ord_emb, user_embedding[:, None, :], uQ, uK, uV)
    i1 = _aggregate(item_1ord_emb, user_embedding[:, None, :], uQ, uK, uV)
    i2 = _aggregate(item_2ord_emb, item_embedding[:, None, :], iQ, iK, iV)
    ur = _aggregate(user_recent_emb, item_embedding[:, None, :], iQ, iK, iV)
    ir = _aggregate(item_recent_emb, user_embedding[:, None, :], uQ, uK, uV)
    user_1ord_ws = (u1 * w_u1).sum(axis=1)
    user_2ord_ws = (u2 * w_u2).sum(axis=1)
    item_1ord_ws = (i1 * w_i1).sum(axis=1)
    item_2ord_ws = (i2 * w_i2).sum(axis=1)
    user_recent_ws = (ur * user_recent_mask).sum(axis=1)
    item_recent_ws = (ir * item_recent_mask).sum(axis=1)
    concated = jnp.concatenate([user_embedding, user_1ord_ws, user_2ord_ws, user_recent_ws, item_embedding, item_1ord_ws, item_2ord_ws, item_recent_ws], axis=1)
    h = _dice(concated @ W1 + b1, alpha1)
    h = _dice(h @ W2 + b2, alpha2)
    out = jax.nn.sigmoid(h @ W3 + b3)
    return out

if __name__ == "__main__":
    import jax
    _d = setup_inputs()
    print(jax.jit(kernel)(*tuple(_d.values())))

</pallas_src>

<mosaic_0001>
#map = affine_map<(d0, d1) -> (0)>
#map1 = affine_map<(d0, d1) -> (0, 0)>
module attributes {stable_mosaic.version = 14 : i64} {
  func.func @k(%arg0: i32, %arg1: i32, %arg2: memref<4096xi32, #tpu.memory_space<hbm>>, %arg3: memref<4096xi32, #tpu.memory_space<hbm>>, %arg4: memref<229376xi32, #tpu.memory_space<hbm>>, %arg5: memref<229376xi32, #tpu.memory_space<hbm>>, %arg6: memref<100000x64xbf16, #tpu.memory_space<hbm>>, %arg7: memref<100000x64xbf16, #tpu.memory_space<hbm>>, %arg8: memref<4096x64xbf16, #tpu.memory_space<hbm>>, %arg9: memref<4096x64xbf16, #tpu.memory_space<hbm>>, %arg10: memref<4096x64xf32, #tpu.memory_space<hbm>>, %arg11: memref<4096x64xf32, #tpu.memory_space<hbm>>, %arg12: memref<128xi32, #tpu.memory_space<vmem>>, %arg13: memref<128xi32, #tpu.memory_space<vmem>>, %arg14: memref<128x64xbf16, #tpu.memory_space<vmem>>, %arg15: memref<128x64xbf16, #tpu.memory_space<vmem>>, %arg16: memref<7168xi32, #tpu.memory_space<vmem>>, %arg17: memref<7168xi32, #tpu.memory_space<vmem>>, %arg18: memref<224x64xbf16, #tpu.memory_space<vmem>>, %arg19: memref<224x64xbf16, #tpu.memory_space<vmem>>, %arg20: memref<224x64xbf16, #tpu.memory_space<vmem>>, %arg21: memref<224x64xbf16, #tpu.memory_space<vmem>>, %arg22: memref<128x64xf32, #tpu.memory_space<vmem>>, %arg23: memref<128x64xf32, #tpu.memory_space<vmem>>, %arg24: memref<!tpu.dma_semaphore, #tpu.memory_space<semaphore_mem>>, %arg25: memref<!tpu.dma_semaphore, #tpu.memory_space<semaphore_mem>>, %arg26: memref<!tpu.dma_semaphore, #tpu.memory_space<semaphore_mem>>, %arg27: memref<!tpu.dma_semaphore, #tpu.memory_space<semaphore_mem>>, %arg28: memref<!tpu.dma_semaphore, #tpu.memory_space<semaphore_mem>>, %arg29: memref<!tpu.dma_semaphore, #tpu.memory_space<semaphore_mem>>) attributes {dimension_semantics = [#tpu.dimension_semantics<core_parallel>, #tpu.dimension_semantics<subcore_parallel>], iteration_bounds = array<i64: 2, 16>, scalar_prefetch = 0 : i64, scratch_operands = 18 : i64, tpu.core_type = #tpu.core_type<sc_vector_subcore>, window_params = [{transform_indices = #map}, {transform_indices = #map}, {transform_indices = #map}, {transform_indices = #map}, {transform_indices = #map1}, {transform_indices = #map1}, {transform_indices = #map1}, {transform_indices = #map1}, {transform_indices = #map1}, {transform_indices = #map1}]} {
    %mul3A = arith.constant 2 : i32
    %mul3A_0 = arith.muli %arg1, %mul3A : i32
    %add3A = arith.addi %mul3A_0, %arg0 : i32
    %mul3A_1 = arith.constant 128 : i32
    %mul3A_2 = arith.muli %add3A, %mul3A_1 : i32
    "tpu.region"() ({
      %run_scoped3A = tpu.sem_alloc : memref<!tpu.dma_semaphore, #tpu.memory_space<semaphore_mem>>
      %dma_start3A_42 = tpu.memref_slice %arg2[%mul3A_2] : memref<4096xi32, #tpu.memory_space<hbm>> -> memref<128xi32, #tpu.memory_space<hbm>>
      %dma_start3A_43 = tpu.memref_slice %arg2[%mul3A_2] : memref<4096xi32, #tpu.memory_space<hbm>> -> memref<128xi32, #tpu.memory_space<hbm>>
      tpu.enqueue_dma source(%dma_start3A_43 : memref<128xi32, #tpu.memory_space<hbm>>) target(%arg12 : memref<128xi32, #tpu.memory_space<vmem>>) target_semaphore(%run_scoped3A : memref<!tpu.dma_semaphore, #tpu.memory_space<semaphore_mem>>)
      %dma_wait3A_44 = tpu.memref_slice %arg2[%mul3A_2] : memref<4096xi32, #tpu.memory_space<hbm>> -> memref<128xi32, #tpu.memory_space<hbm>>
      %dma_wait3A_45 = tpu.memref_slice %arg2[%mul3A_2] : memref<4096xi32, #tpu.memory_space<hbm>> -> memref<128xi32, #tpu.memory_space<hbm>>
      tpu.wait_dma2 semaphore(%run_scoped3A : memref<!tpu.dma_semaphore, #tpu.memory_space<semaphore_mem>>) src(%dma_wait3A_45 : memref<128xi32, #tpu.memory_space<hbm>>) dst(%arg12 : memref<128xi32, #tpu.memory_space<vmem>>)
      tpu.yield
    }) : () -> ()
    "tpu.region"() ({
      %run_scoped3A = tpu.sem_alloc : memref<!tpu.dma_semaphore, #tpu.memory_space<semaphore_mem>>
      %dma_start3A_42 = tpu.memref_slice %arg3[%mul3A_2] : memref<4096xi32, #tpu.memory_space<hbm>> -> memref<128xi32, #tpu.memory_space<hbm>>
      %dma_start3A_43 = tpu.memref_slice %arg3[%mul3A_2] : memref<4096xi32, #tpu.memory_space<hbm>> -> memref<128xi32, #tpu.memory_space<hbm>>
      tpu.enqueue_dma source(%dma_start3A_43 : memref<128xi32, #tpu.memory_space<hbm>>) target(%arg13 : memref<128xi32, #tpu.memory_space<vmem>>) target_semaphore(%run_scoped3A : memref<!tpu.dma_semaphore, #tpu.memory_space<semaphore_mem>>)
      %dma_wait3A_44 = tpu.memref_slice %arg3[%mul3A_2] : memref<4096xi32, #tpu.memory_space<hbm>> -> memref<128xi32, #tpu.memory_space<hbm>>
      %dma_wait3A_45 = tpu.memref_slice %arg3[%mul3A_2] : memref<4096xi32, #tpu.memory_space<hbm>> -> memref<128xi32, #tpu.memory_space<hbm>>
      tpu.wait_dma2 semaphore(%run_scoped3A : memref<!tpu.dma_semaphore, #tpu.memory_space<semaphore_mem>>) src(%dma_wait3A_45 : memref<128xi32, #tpu.memory_space<hbm>>) dst(%arg13 : memref<128xi32, #tpu.memory_space<vmem>>)
      tpu.yield
    }) : () -> ()
    %mul3A_3 = arith.constant 56 : i32
    %mul3A_4 = arith.muli %mul3A_2, %mul3A_3 : i32
    "tpu.region"() ({
      %run_scoped3A = tpu.sem_alloc : memref<!tpu.dma_semaphore, #tpu.memory_space<semaphore_mem>>
      %dma_start3A_42 = tpu.memref_slice %arg4[%mul3A_4] : memref<229376xi32, #tpu.memory_space<hbm>> -> memref<7168xi32, #tpu.memory_space<hbm>>
      %dma_start3A_43 = tpu.memref_slice %arg4[%mul3A_4] : memref<229376xi32, #tpu.memory_space<hbm>> -> memref<7168xi32, #tpu.memory_space<hbm>>
      tpu.enqueue_dma source(%dma_start3A_43 : memref<7168xi32, #tpu.memory_space<hbm>>) target(%arg16 : memref<7168xi32, #tpu.memory_space<vmem>>) target_semaphore(%run_scoped3A : memref<!tpu.dma_semaphore, #tpu.memory_space<semaphore_mem>>)
      %dma_wait3A_44 = tpu.memref_slice %arg4[%mul3A_4] : memref<229376xi32, #tpu.memory_space<hbm>> -> memref<7168xi32, #tpu.memory_space<hbm>>
      %dma_wait3A_45 = tpu.memref_slice %arg4[%mul3A_4] : memref<229376xi32, #tpu.memory_space<hbm>> -> memref<7168xi32, #tpu.memory_space<hbm>>
      tpu.wait_dma2 semaphore(%run_scoped3A : memref<!tpu.dma_semaphore, #tpu.memory_space<semaphore_mem>>) src(%dma_wait3A_45 : memref<7168xi32, #tpu.memory_space<hbm>>) dst(%arg16 : memref<7168xi32, #tpu.memory_space<vmem>>)
      tpu.yield
    }) : () -> ()
    %mul3A_5 = arith.constant 56 : i32
    %mul3A_6 = arith.muli %mul3A_2, %mul3A_5 : i32
    "tpu.region"() ({
      %run_scoped3A = tpu.sem_alloc : memref<!tpu.dma_semaphore, #tpu.memory_space<semaphore_mem>>
      %dma_start3A_42 = tpu.memref_slice %arg5[%mul3A_6] : memref<229376xi32, #tpu.memory_space<hbm>> -> memref<7168xi32, #tpu.memory_space<hbm>>
      %dma_start3A_43 = tpu.memref_slice %arg5[%mul3A_6] : memref<229376xi32, #tpu.memory_space<hbm>> -> memref<7168xi32, #tpu.memory_space<hbm>>
      tpu.enqueue_dma source(%dma_start3A_43 : memref<7168xi32, #tpu.memory_space<hbm>>) target(%arg17 : memref<7168xi32, #tpu.memory_space<vmem>>) target_semaphore(%run_scoped3A : memref<!tpu.dma_semaphore, #tpu.memory_space<semaphore_mem>>)
      %dma_wait3A_44 = tpu.memref_slice %arg5[%mul3A_6] : memref<229376xi32, #tpu.memory_space<hbm>> -> memref<7168xi32, #tpu.memory_space<hbm>>
      %dma_wait3A_45 = tpu.memref_slice %arg5[%mul3A_6] : memref<229376xi32, #tpu.memory_space<hbm>> -> memref<7168xi32, #tpu.memory_space<hbm>>
      tpu.wait_dma2 semaphore(%run_scoped3A : memref<!tpu.dma_semaphore, #tpu.memory_space<semaphore_mem>>) src(%dma_wait3A_45 : memref<7168xi32, #tpu.memory_space<hbm>>) dst(%arg17 : memref<7168xi32, #tpu.memory_space<vmem>>)
      tpu.yield
    }) : () -> ()
    %dma_start3A = arith.constant 0 : i32
    %dma_start3A_7 = arith.constant 0 : i32
    %dma_start3A_8 = tpu.memref_slice %arg6[%dma_start3A, %dma_start3A_7] : memref<100000x64xbf16, #tpu.memory_space<hbm>> -> memref<100000x64xbf16, #tpu.memory_space<hbm>>
    tpu.enqueue_indirect_dma source(%dma_start3A_8 : memref<100000x64xbf16, #tpu.memory_space<hbm>>) target(%arg14 : memref<128x64xbf16, #tpu.memory_space<vmem>>) offsets(%arg12 : memref<128xi32, #tpu.memory_space<vmem>>) semaphore(%arg24 : memref<!tpu.dma_semaphore, #tpu.memory_space<semaphore_mem>>)
    %dma_start3A_9 = arith.constant 0 : i32
    %dma_start3A_10 = arith.constant 0 : i32
    %dma_start3A_11 = tpu.memref_slice %arg7[%dma_start3A_9, %dma_start3A_10] : memref<100000x64xbf16, #tpu.memory_space<hbm>> -> memref<100000x64xbf16, #tpu.memory_space<hbm>>
    tpu.enqueue_indirect_dma source(%dma_start3A_11 : memref<100000x64xbf16, #tpu.memory_space<hbm>>) target(%arg15 : memref<128x64xbf16, #tpu.memory_space<vmem>>) offsets(%arg13 : memref<128xi32, #tpu.memory_space<vmem>>) semaphore(%arg25 : memref<!tpu.dma_semaphore, #tpu.memory_space<semaphore_mem>>)
    %dma_start3A_12 = arith.constant 0 : i32
    %dma_start3A_13 = tpu.memref_slice %arg16[%dma_start3A_12] : memref<7168xi32, #tpu.memory_space<vmem>> -> memref<224xi32, #tpu.memory_space<vmem>>
    %dma_start3A_14 = arith.constant 0 : i32
    %dma_start3A_15 = arith.constant 0 : i32
    %dma_start3A_16 = tpu.memref_slice %arg7[%dma_start3A_14, %dma_start3A_15] : memref<100000x64xbf16, #tpu.memory_space<hbm>> -> memref<100000x64xbf16, #tpu.memory_space<hbm>>
    tpu.enqueue_indirect_dma source(%dma_start3A_16 : memref<100000x64xbf16, #tpu.memory_space<hbm>>) target(%arg18 : memref<224x64xbf16, #tpu.memory_space<vmem>>) offsets(%dma_start3A_13 : memref<224xi32, #tpu.memory_space<vmem>>) semaphore(%arg26 : memref<!tpu.dma_semaphore, #tpu.memory_space<semaphore_mem>>)
    %dma_start3A_17 = arith.constant 0 : i32
    %dma_start3A_18 = tpu.memref_slice %arg17[%dma_start3A_17] : memref<7168xi32, #tpu.memory_space<vmem>> -> memref<224xi32, #tpu.memory_space<vmem>>
    %dma_start3A_19 = arith.constant 0 : i32
    %dma_start3A_20 = arith.constant 0 : i32
    %dma_start3A_21 = tpu.memref_slice %arg6[%dma_start3A_19, %dma_start3A_20] : memref<100000x64xbf16, #tpu.memory_space<hbm>> -> memref<100000x64xbf16, #tpu.memory_space<hbm>>
    tpu.enqueue_indirect_dma source(%dma_start3A_21 : memref<100000x64xbf16, #tpu.memory_space<hbm>>) target(%arg20 : memref<224x64xbf16, #tpu.memory_space<vmem>>) offsets(%dma_start3A_18 : memref<224xi32, #tpu.memory_space<vmem>>) semaphore(%arg28 : memref<!tpu.dma_semaphore, #tpu.memory_space<semaphore_mem>>)
    %dma_start3A_22 = arith.constant 224 : i32
    %dma_start3A_23 = tpu.memref_slice %arg16[%dma_start3A_22] : memref<7168xi32, #tpu.memory_space<vmem>> -> memref<224xi32, #tpu.memory_space<vmem>>
    %dma_start3A_24 = arith.constant 0 : i32
    %dma_start3A_25 = arith.constant 0 : i32
    %dma_start3A_26 = tpu.memref_slice %arg7[%dma_start3A_24, %dma_start3A_25] : memref<100000x64xbf16, #tpu.memory_space<hbm>> -> memref<100000x64xbf16, #tpu.memory_space<hbm>>
    tpu.enqueue_indirect_dma source(%dma_start3A_26 : memref<100000x64xbf16, #tpu.memory_space<hbm>>) target(%arg19 : memref<224x64xbf16, #tpu.memory_space<vmem>>) offsets(%dma_start3A_23 : memref<224xi32, #tpu.memory_space<vmem>>) semaphore(%arg27 : memref<!tpu.dma_semaphore, #tpu.memory_space<semaphore_mem>>)
    %dma_start3A_27 = arith.constant 224 : i32
    %dma_start3A_28 = tpu.memref_slice %arg17[%dma_start3A_27] : memref<7168xi32, #tpu.memory_space<vmem>> -> memref<224xi32, #tpu.memory_space<vmem>>
    %dma_start3A_29 = arith.constant 0 : i32
    %dma_start3A_30 = arith.constant 0 : i32
    %dma_start3A_31 = tpu.memref_slice %arg6[%dma_start3A_29, %dma_start3A_30] : memref<100000x64xbf16, #tpu.memory_space<hbm>> -> memref<100000x64xbf16, #tpu.memory_space<hbm>>
    tpu.enqueue_indirect_dma source(%dma_start3A_31 : memref<100000x64xbf16, #tpu.memory_space<hbm>>) target(%arg21 : memref<224x64xbf16, #tpu.memory_space<vmem>>) offsets(%dma_start3A_28 : memref<224xi32, #tpu.memory_space<vmem>>) semaphore(%arg29 : memref<!tpu.dma_semaphore, #tpu.memory_space<semaphore_mem>>)
    %scan3A = arith.constant 0 : i32
    %scan3A_32 = arith.constant 0 : i32
    %scan3A_33 = arith.constant 16 : i32
    %scan3A_34 = arith.addi %scan3A_32, %scan3A_33 : i32
    %scan3A_35 = arith.constant 1 : i32
    scf.for %scan3A_42 = %scan3A_32 to %scan3A_34 step %scan3A_35  : i32 {
      %mul3A_43 = arith.constant 2 : i32
      %mul3A_44 = arith.muli %mul3A_43, %scan3A_42 : i32
      %add3A_45 = arith.constant 0 : i32
      %add3A_46 = arith.addi %mul3A_44, %add3A_45 : i32
      %dma_wait3A_47 = arith.constant 0 : i32
      %dma_wait3A_48 = tpu.memref_slice %arg16[%dma_wait3A_47] : memref<7168xi32, #tpu.memory_space<vmem>> -> memref<224xi32, #tpu.memory_space<vmem>>
      %dma_wait3A_49 = arith.constant 0 : i32
      %dma_wait3A_50 = arith.constant 0 : i32
      %dma_wait3A_51 = tpu.memref_slice %arg7[%dma_wait3A_49, %dma_wait3A_50] : memref<100000x64xbf16, #tpu.memory_space<hbm>> -> memref<100000x64xbf16, #tpu.memory_space<hbm>>
      tpu.wait_indirect_dma semaphore(%arg26 : memref<!tpu.dma_semaphore, #tpu.memory_space<semaphore_mem>>) src(%dma_wait3A_51 : memref<100000x64xbf16, #tpu.memory_space<hbm>>) dst(%arg18 : memref<224x64xbf16, #tpu.memory_space<vmem>>)
      %scan3A_52 = arith.constant 0 : i32
      %scan3A_53 = arith.constant 0 : i32
      %scan3A_54 = arith.constant 4 : i32
      %scan3A_55 = arith.addi %scan3A_53, %scan3A_54 : i32
      %scan3A_56 = arith.constant 1 : i32
      scf.for %scan3A_122 = %scan3A_53 to %scan3A_55 step %scan3A_56  : i32 {
        %broadcast_in_dim3A = arith.constant 0.000000e+00 : f32
        %broadcast_in_dim3A_123 = vector.broadcast %broadcast_in_dim3A : f32 to vector<16xf32>
        %broadcast_in_dim3A_124 = arith.constant 0.000000e+00 : f32
        %broadcast_in_dim3A_125 = vector.broadcast %broadcast_in_dim3A_124 : f32 to vector<16xf32>
        %broadcast_in_dim3A_126 = arith.constant 0.000000e+00 : f32
        %broadcast_in_dim3A_127 = vector.broadcast %broadcast_in_dim3A_126 : f32 to vector<16xf32>
        %broadcast_in_dim3A_128 = arith.constant 0.000000e+00 : f32
        %broadcast_in_dim3A_129 = vector.broadcast %broadcast_in_dim3A_128 : f32 to vector<16xf32>
        %scan3A_130 = arith.constant 0 : i32
        %scan3A_131 = arith.constant 7 : i32
        %scan3A_132 = arith.addi %scan3A_130, %scan3A_131 : i32
        %scan3A_133 = arith.constant 1 : i32
        %scan3A_134:4 = scf.for %scan3A_159 = %scan3A_130 to %scan3A_132 step %scan3A_133 iter_args(%scan3A_160 = %broadcast_in_dim3A_123, %scan3A_161 = %broadcast_in_dim3A_125, %scan3A_162 = %broadcast_in_dim3A_127, %scan3A_163 = %broadcast_in_dim3A_129) -> (vector<16xf32>, vector<16xf32>, vector<16xf32>, vector<16xf32>)  : i32 {
          %mul3A_164 = arith.constant 56 : i32
          %mul3A_165 = arith.muli %scan3A_122, %mul3A_164 : i32
          %mul3A_166 = arith.constant 8 : i32
          %mul3A_167 = arith.muli %mul3A_166, %scan3A_159 : i32
          %add3A_168 = arith.addi %mul3A_165, %mul3A_167 : i32
          %add3A_169 = arith.constant 0 : i32
          %add3A_170 = arith.addi %add3A_168, %add3A_169 : i32
          %get3A = arith.index_cast %add3A_170 : i32 to index
          %get3A_171 = arith.constant 0 : index
          %get3A_172 = tpu.vector_load %arg18[%get3A, %get3A_171] {strides = array<i32>} : memref<224x64xbf16, #tpu.memory_space<vmem>>, vector<32xbf16>,
          %unpack3A = tpu.unpack_subelements %get3A_172, 0 {pack_format = #tpu.pack_format<interleaved>} : vector<32xbf16> -> vector<16xf32>
          %unpack3A_173 = tpu.unpack_subelements %get3A_172, 1 {pack_format = #tpu.pack_format<interleaved>} : vector<32xbf16> -> vector<16xf32>
          %add3A_174 = arith.addf %scan3A_160, %unpack3A : vector<16xf32>
          %add3A_175 = arith.addf %scan3A_161, %unpack3A_173 : vector<16xf32>
          %get3A_176 = arith.index_cast %add3A_170 : i32 to index
          %get3A_177 = arith.constant 32 : index
          %get3A_178 = tpu.vector_load %arg18[%get3A_176, %get3A_177] {strides = array<i32>} : memref<224x64xbf16, #tpu.memory_space<vmem>>, vector<32xbf16>,
          %unpack3A_179 = tpu.unpack_subelements %get3A_178, 0 {pack_format = #tpu.pack_format<interleaved>} : vector<32xbf16> -> vector<16xf32>
          %unpack3A_180 = tpu.unpack_subelements %get3A_178, 1 {pack_format = #tpu.pack_format<interleaved>} : vector<32xbf16> -> vector<16xf32>
          %add3A_181 = arith.addf %scan3A_162, %unpack3A_179 : vector<16xf32>
          %add3A_182 = arith.addf %scan3A_163, %unpack3A_180 : vector<16xf32>
          %mul3A_183 = arith.constant 56 : i32
          %mul3A_184 = arith.muli %scan3A_122, %mul3A_183 : i32
          %mul3A_185 = arith.constant 8 : i32
          %mul3A_186 = arith.muli %mul3A_185, %scan3A_159 : i32
          %add3A_187 = arith.addi %mul3A_184, %mul3A_186 : i32
          %add3A_188 = arith.constant 1 : i32
          %add3A_189 = arith.addi %add3A_187, %add3A_188 : i32
          %get3A_190 = arith.index_cast %add3A_189 : i32 to index
          %get3A_191 = arith.constant 0 : index
          %get3A_192 = tpu.vector_load %arg18[%get3A_190, %get3A_191] {strides = array<i32>} : memref<224x64xbf16, #tpu.memory_space<vmem>>, vector<32xbf16>,
          %unpack3A_193 = tpu.unpack_subelements %get3A_192, 0 {pack_format = #tpu.pack_format<interleaved>} : vector<32xbf16> -> vector<16xf32>
          %unpack3A_194 = tpu.unpack_subelements %get3A_192, 1 {pack_format = #tpu.pack_format<interleaved>} : vector<32xbf16> -> vector<16xf32>
          %add3A_195 = arith.addf %add3A_174, %unpack3A_193 : vector<16xf32>
          %add3A_196 = arith.addf %add3A_175, %unpack3A_194 : vector<16xf32>
          %get3A_197 = arith.index_cast %add3A_189 : i32 to index
          %get3A_198 = arith.constant 32 : index
          %get3A_199 = tpu.vector_load %arg18[%get3A_197, %get3A_198] {strides = array<i32>} : memref<224x64xbf16, #tpu.memory_space<vmem>>, vector<32xbf16>,
          %unpack3A_200 = tpu.unpack_subelements %get3A_199, 0 {pack_format = #tpu.pack_format<interleaved>} : vector<32xbf16> -> vector<16xf32>
          %unpack3A_201 = tpu.unpack_subelements %get3A_199, 1 {pack_format = #tpu.pack_format<interleaved>} : vector<32xbf16> -> vector<16xf32>
          %add3A_202 = arith.addf %add3A_181, %unpack3A_200 : vector<16xf32>
          %add3A_203 = arith.addf %add3A_182, %unpack3A_201 : vector<16xf32>
          %mul3A_204 = arith.constant 56 : i32
          %mul3A_205 = arith.muli %scan3A_122, %mul3A_204 : i32
          %mul3A_206 = arith.constant 8 : i32
          %mul3A_207 = arith.muli %mul3A_206, %scan3A_159 : i32
          %add3A_208 = arith.addi %mul3A_205, %mul3A_207 : i32
          %add3A_209 = arith.constant 2 : i32
          %add3A_210 = arith.addi %add3A_208, %add3A_209 : i32
          %get3A_211 = arith.index_cast %add3A_210 : i32 to index
          %get3A_212 = arith.constant 0 : index
          %get3A_213 = tpu.vector_load %arg18[%get3A_211, %get3A_212] {strides = array<i32>} : memref<224x64xbf16, #tpu.memory_space<vmem>>, vector<32xbf16>,
          %unpack3A_214 = tpu.unpack_subelements %get3A_213, 0 {pack_format = #tpu.pack_format<interleaved>} : vector<32xbf16> -> vector<16xf32>
          %unpack3A_215 = tpu.unpack_subelements %get3A_213, 1 {pack_format = #tpu.pack_format<interleaved>} : vector<32xbf16> -> vector<16xf32>
          %add3A_216 = arith.addf %add3A_195, %unpack3A_214 : vector<16xf32>
          %add3A_217 = arith.addf %add3A_196, %unpack3A_215 : vector<16xf32>
          %get3A_218 = arith.index_cast %add3A_210 : i32 to index
          %get3A_219 = arith.constant 32 : index
          %get3A_220 = tpu.vector_load %arg18[%get3A_218, %get3A_219] {strides = array<i32>} : memref<224x64xbf16, #tpu.memory_space<vmem>>, vector<32xbf16>,
          %unpack3A_221 = tpu.unpack_subelements %get3A_220, 0 {pack_format = #tpu.pack_format<interleaved>} : vector<32xbf16> -> vector<16xf32>
          %unpack3A_222 = tpu.unpack_subelements %get3A_220, 1 {pack_format = #tpu.pack_format<interleaved>} : vector<32xbf16> -> vector<16xf32>
          %add3A_223 = arith.addf %add3A_202, %unpack3A_221 : vector<16xf32>
          %add3A_224 = arith.addf %add3A_203, %unpack3A_222 : vector<16xf32>
          %mul3A_225 = arith.constant 56 : i32
          %mul3A_226 = arith.muli %scan3A_122, %mul3A_225 : i32
          %mul3A_227 = arith.constant 8 : i32
          %mul3A_228 = arith.muli %mul3A_227, %scan3A_159 : i32
          %add3A_229 = arith.addi %mul3A_226, %mul3A_228 : i32
          %add3A_230 = arith.constant 3 : i32
          %add3A_231 = arith.addi %add3A_229, %add3A_230 : i32
          %get3A_232 = arith.index_cast %add3A_231 : i32 to index
          %get3A_233 = arith.constant 0 : index
          %get3A_234 = tpu.vector_load %arg18[%get3A_232, %get3A_233] {strides = array<i32>} : memref<224x64xbf16, #tpu.memory_space<vmem>>, vector<32xbf16>,
          %unpack3A_235 = tpu.unpack_subelements %get3A_234, 0 {pack_format = #tpu.pack_format<interleaved>} : vector<32xbf16> -> vector<16xf32>
          %unpack3A_236 = tpu.unpack_subelements %get3A_234, 1 {pack_format = #tpu.pack_format<interleaved>} : vector<32xbf16> -> vector<16xf32>
          %add3A_237 = arith.addf %add3A_216, %unpack3A_235 : vector<16xf32>
          %add3A_238 = arith.addf %add3A_217, %unpack3A_236 : vector<16xf32>
          %get3A_239 = arith.index_cast %add3A_231 : i32 to index
          %get3A_240 = arith.constant 32 : index
          %get3A_241 = tpu.vector_load %arg18[%get3A_239, %get3A_240] {strides = array<i32>} : memref<224x64xbf16, #tpu.memory_space<vmem>>, vector<32xbf16>,
          %unpack3A_242 = tpu.unpack_subelements %get3A_241, 0 {pack_format = #tpu.pack_format<interleaved>} : vector<32xbf16> -> vector<16xf32>
          %unpack3A_243 = tpu.unpack_subelements %get3A_241, 1 {pack_format = #tpu.pack_format<interleaved>} : vector<32xbf16> -> vector<16xf32>
          %add3A_244 = arith.addf %add3A_223, %unpack3A_242 : vector<16xf32>
          %add3A_245 = arith.addf %add3A_224, %unpack3A_243 : vector<16xf32>
          %mul3A_246 = arith.constant 56 : i32
          %mul3A_247 = arith.muli %scan3A_122, %mul3A_246 : i32
          %mul3A_248 = arith.constant 8 : i32
          %mul3A_249 = arith.muli %mul3A_248, %scan3A_159 : i32
          %add3A_250 = arith.addi %mul3A_247, %mul3A_249 : i32
          %add3A_251 = arith.constant 4 : i32
          %add3A_252 = arith.addi %add3A_250, %add3A_251 : i32
          %get3A_253 = arith.index_cast %add3A_252 : i32 to index
          %get3A_254 = arith.constant 0 : index
          %get3A_255 = tpu.vector_load %arg18[%get3A_253, %get3A_254] {strides = array<i32>} : memref<224x64xbf16, #tpu.memory_space<vmem>>, vector<32xbf16>,
          %unpack3A_256 = tpu.unpack_subelements %get3A_255, 0 {pack_format = #tpu.pack_format<interleaved>} : vector<32xbf16> -> vector<16xf32>
          %unpack3A_257 = tpu.unpack_subelements %get3A_255, 1 {pack_format = #tpu.pack_format<interleaved>} : vector<32xbf16> -> vector<16xf32>
          %add3A_258 = arith.addf %add3A_237, %unpack3A_256 : vector<16xf32>
          %add3A_259 = arith.addf %add3A_238, %unpack3A_257 : vector<16xf32>
          %get3A_260 = arith.index_cast %add3A_252 : i32 to index
          %get3A_261 = arith.constant 32 : index
          %get3A_262 = tpu.vector_load %arg18[%get3A_260, %get3A_261] {strides = array<i32>} : memref<224x64xbf16, #tpu.memory_space<vmem>>, vector<32xbf16>,
          %unpack3A_263 = tpu.unpack_subelements %get3A_262, 0 {pack_format = #tpu.pack_format<interleaved>} : vector<32xbf16> -> vector<16xf32>
          %unpack3A_264 = tpu.unpack_subelements %get3A_262, 1 {pack_format = #tpu.pack_format<interleaved>} : vector<32xbf16> -> vector<16xf32>
          %add3A_265 = arith.addf %add3A_244, %unpack3A_263 : vector<16xf32>
          %add3A_266 = arith.addf %add3A_245, %unpack3A_264 : vector<16xf32>
          %mul3A_267 = arith.constant 56 : i32
          %mul3A_268 = arith.muli %scan3A_122, %mul3A_267 : i32
          %mul3A_269 = arith.constant 8 : i32
          %mul3A_270 = arith.muli %mul3A_269, %scan3A_159 : i32
          %add3A_271 = arith.addi %mul3A_268, %mul3A_270 : i32
          %add3A_272 = arith.constant 5 : i32
          %add3A_273 = arith.addi %add3A_271, %add3A_272 : i32
          %get3A_274 = arith.index_cast %add3A_273 : i32 to index
          %get3A_275 = arith.constant 0 : index
          %get3A_276 = tpu.vector_load %arg18[%get3A_274, %get3A_275] {strides = array<i32>} : memref<224x64xbf16, #tpu.memory_space<vmem>>, vector<32xbf16>,
          %unpack3A_277 = tpu.unpack_subelements %get3A_276, 0 {pack_format = #tpu.pack_format<interleaved>} : vector<32xbf16> -> vector<16xf32>
          %unpack3A_278 = tpu.unpack_subelements %get3A_276, 1 {pack_format = #tpu.pack_format<interleaved>} : vector<32xbf16> -> vector<16xf32>
          %add3A_279 = arith.addf %add3A_258, %unpack3A_277 : vector<16xf32>
          %add3A_280 = arith.addf %add3A_259, %unpack3A_278 : vector<16xf32>
          %get3A_281 = arith.index_cast %add3A_273 : i32 to index
          %get3A_282 = arith.constant 32 : index
          %get3A_283 = tpu.vector_load %arg18[%get3A_281, %get3A_282] {strides = array<i32>} : memref<224x64xbf16, #tpu.memory_space<vmem>>, vector<32xbf16>,
          %unpack3A_284 = tpu.unpack_subelements %get3A_283, 0 {pack_format = #tpu.pack_format<interleaved>} : vector<32xbf16> -> vector<16xf32>
          %unpack3A_285 = tpu.unpack_subelements %get3A_283, 1 {pack_format = #tpu.pack_format<interleaved>} : vector<32xbf16> -> vector<16xf32>
          %add3A_286 = arith.addf %add3A_265, %unpack3A_284 : vector<16xf32>
          %add3A_287 = arith.addf %add3A_266, %unpack3A_285 : vector<16xf32>
          %mul3A_288 = arith.constant 56 : i32
          %mul3A_289 = arith.muli %scan3A_122, %mul3A_288 : i32
          %mul3A_290 = arith.constant 8 : i32
          %mul3A_291 = arith.muli %mul3A_290, %scan3A_159 : i32
          %add3A_292 = arith.addi %mul3A_289, %mul3A_291 : i32
          %add3A_293 = arith.constant 6 : i32
          %add3A_294 = arith.addi %add3A_292, %add3A_293 : i32
          %get3A_295 = arith.index_cast %add3A_294 : i32 to index
          %get3A_296 = arith.constant 0 : index
          %get3A_297 = tpu.vector_load %arg18[%get3A_295, %get3A_296] {strides = array<i32>} : memref<224x64xbf16, #tpu.memory_space<vmem>>, vector<32xbf16>,
          %unpack3A_298 = tpu.unpack_subelements %get3A_297, 0 {pack_format = #tpu.pack_format<interleaved>} : vector<32xbf16> -> vector<16xf32>
          %unpack3A_299 = tpu.unpack_subelements %get3A_297, 1 {pack_format = #tpu.pack_format<interleaved>} : vector<32xbf16> -> vector<16xf32>
          %add3A_300 = arith.addf %add3A_279, %unpack3A_298 : vector<16xf32>
          %add3A_301 = arith.addf %add3A_280, %unpack3A_299 : vector<16xf32>
          %get3A_302 = arith.index_cast %add3A_294 : i32 to index
          %get3A_303 = arith.constant 32 : index
          %get3A_304 = tpu.vector_load %arg18[%get3A_302, %get3A_303] {strides = array<i32>} : memref<224x64xbf16, #tpu.memory_space<vmem>>, vector<32xbf16>,
          %unpack3A_305 = tpu.unpack_subelements %get3A_304, 0 {pack_format = #tpu.pack_format<interleaved>} : vector<32xbf16> -> vector<16xf32>
          %unpack3A_306 = tpu.unpack_subelements %get3A_304, 1 {pack_format = #tpu.pack_format<interleaved>} : vector<32xbf16> -> vector<16xf32>
          %add3A_307 = arith.addf %add3A_286, %unpack3A_305 : vector<16xf32>
          %add3A_308 = arith.addf %add3A_287, %unpack3A_306 : vector<16xf32>
          %mul3A_309 = arith.constant 56 : i32
          %mul3A_310 = arith.muli %scan3A_122, %mul3A_309 : i32
          %mul3A_311 = arith.constant 8 : i32
          %mul3A_312 = arith.muli %mul3A_311, %scan3A_159 : i32
          %add3A_313 = arith.addi %mul3A_310, %mul3A_312 : i32
          %add3A_314 = arith.constant 7 : i32
          %add3A_315 = arith.addi %add3A_313, %add3A_314 : i32
          %get3A_316 = arith.index_cast %add3A_315 : i32 to index
          %get3A_317 = arith.constant 0 : index
          %get3A_318 = tpu.vector_load %arg18[%get3A_316, %get3A_317] {strides = array<i32>} : memref<224x64xbf16, #tpu.memory_space<vmem>>, vector<32xbf16>,
          %unpack3A_319 = tpu.unpack_subelements %get3A_318, 0 {pack_format = #tpu.pack_format<interleaved>} : vector<32xbf16> -> vector<16xf32>
          %unpack3A_320 = tpu.unpack_subelements %get3A_318, 1 {pack_format = #tpu.pack_format<interleaved>} : vector<32xbf16> -> vector<16xf32>
          %add3A_321 = arith.addf %add3A_300, %unpack3A_319 : vector<16xf32>
          %add3A_322 = arith.addf %add3A_301, %unpack3A_320 : vector<16xf32>
          %get3A_323 = arith.index_cast %add3A_315 : i32 to index
          %get3A_324 = arith.constant 32 : index
          %get3A_325 = tpu.vector_load %arg18[%get3A_323, %get3A_324] {strides = array<i32>} : memref<224x64xbf16, #tpu.memory_space<vmem>>, vector<32xbf16>,
          %unpack3A_326 = tpu.unpack_subelements %get3A_325, 0 {pack_format = #tpu.pack_format<interleaved>} : vector<32xbf16> -> vector<16xf32>
          %unpack3A_327 = tpu.unpack_subelements %get3A_325, 1 {pack_format = #tpu.pack_format<interleaved>} : vector<32xbf16> -> vector<16xf32>
          %add3A_328 = arith.addf %add3A_307, %unpack3A_326 : vector<16xf32>
          %add3A_329 = arith.addf %add3A_308, %unpack3A_327 : vector<16xf32>
          scf.yield %add3A_321, %add3A_322, %add3A_328, %add3A_329 : vector<16xf32>, vector<16xf32>, vector<16xf32>, vector<16xf32>
        }
        %scan3A_135 = arith.constant 7 : i32
        %mul3A_136 = arith.constant 4 : i32
        %mul3A_137 = arith.muli %add3A_46, %mul3A_136 : i32
        %add3A_138 = arith.addi %mul3A_137, %scan3A_122 : i32
        %swap3A = arith.index_cast %add3A_138 : i32 to index
        %swap3A_139 = arith.constant 0 : index
        %swap3A_140 = tpu.vector_load %arg22[%swap3A, %swap3A_139] {strides = array<i32>} : memref<128x64xf32, #tpu.memory_space<vmem>>, vector<16xf32>,
        tpu.vector_store %arg22[%swap3A, %swap3A_139], %scan3A_134#0 {strides = array<i32>} : memref<128x64xf32, #tpu.memory_space<vmem>>, vector<16xf32>,
        %mul3A_141 = arith.constant 4 : i32
        %mul3A_142 = arith.muli %add3A_46, %mul3A_141 : i32
        %add3A_143 = arith.addi %mul3A_142, %scan3A_122 : i32
        %swap3A_144 = arith.index_cast %add3A_143 : i32 to index
        %swap3A_145 = arith.constant 16 : index
        %swap3A_146 = tpu.vector_load %arg22[%swap3A_144, %swap3A_145] {strides = array<i32>} : memref<128x64xf32, #tpu.memory_space<vmem>>, vector<16xf32>,
        tpu.vector_store %arg22[%swap3A_144, %swap3A_145], %scan3A_134#1 {strides = array<i32>} : memref<128x64xf32, #tpu.memory_space<vmem>>, vector<16xf32>,
        %mul3A_147 = arith.constant 4 : i32
        %mul3A_148 = arith.muli %add3A_46, %mul3A_147 : i32
        %add3A_149 = arith.addi %mul3A_148, %scan3A_122 : i32
        %swap3A_150 = arith.index_cast %add3A_149 : i32 to index
        %swap3A_151 = arith.constant 32 : index
        %swap3A_152 = tpu.vector_load %arg22[%swap3A_150, %swap3A_151] {strides = array<i32>} : memref<128x64xf32, #tpu.memory_space<vmem>>, vector<16xf32>,
        tpu.vector_store %arg22[%swap3A_150, %swap3A_151], %scan3A_134#2 {strides = array<i32>} : memref<128x64xf32, #tpu.memory_space<vmem>>, vector<16xf32>,
        %mul3A_153 = arith.constant 4 : i32
        %mul3A_154 = arith.muli %add3A_46, %mul3A_153 : i32
        %add3A_155 = arith.addi %mul3A_154, %scan3A_122 : i32
        %swap3A_156 = arith.index_cast %add3A_155 : i32 to index
        %swap3A_157 = arith.constant 48 : index
        %swap3A_158 = tpu.vector_load %arg22[%swap3A_156, %swap3A_157] {strides = array<i32>} : memref<128x64xf32, #tpu.memory_space<vmem>>, vector<16xf32>,
        tpu.vector_store %arg22[%swap3A_156, %swap3A_157], %scan3A_134#3 {strides = array<i32>} : memref<128x64xf32, #tpu.memory_space<vmem>>, vector<16xf32>,
      }
      %scan3A_57 = arith.constant 4 : i32
      %add3A_58 = arith.constant 2 : i32
      %add3A_59 = arith.addi %add3A_46, %add3A_58 : i32
      %lt3A = arith.constant 32 : i32
      %lt3A_60 = arith.cmpi slt, %add3A_59, %lt3A : i32
      %convert_element_type3A = arith.extui %lt3A_60 : i1 to i32
      %cond3A = arith.constant 0 : i32
      %cond3A_61 = arith.cmpi ne, %convert_element_type3A, %cond3A : i32
      scf.if %cond3A_61 {
        %add3A_122 = arith.constant 2 : i32
        %add3A_123 = arith.addi %add3A_46, %add3A_122 : i32
        %mul3A_124 = arith.constant 224 : i32
        %mul3A_125 = arith.muli %add3A_123, %mul3A_124 : i32
        %dma_start3A_126 = tpu.memref_slice %arg16[%mul3A_125] : memref<7168xi32, #tpu.memory_space<vmem>> -> memref<224xi32, #tpu.memory_space<vmem>>
        %dma_start3A_127 = arith.constant 0 : i32
        %dma_start3A_128 = arith.constant 0 : i32
        %dma_start3A_129 = tpu.memref_slice %arg7[%dma_start3A_127, %dma_start3A_128] : memref<100000x64xbf16, #tpu.memory_space<hbm>> -> memref<100000x64xbf16, #tpu.memory_space<hbm>>
        tpu.enqueue_indirect_dma source(%dma_start3A_129 : memref<100000x64xbf16, #tpu.memory_space<hbm>>) target(%arg18 : memref<224x64xbf16, #tpu.memory_space<vmem>>) offsets(%dma_start3A_126 : memref<224xi32, #tpu.memory_space<vmem>>) semaphore(%arg26 : memref<!tpu.dma_semaphore, #tpu.memory_space<semaphore_mem>>)
      } else {
      }
      %add3A_62 = arith.constant 0 : i32
      %add3A_63 = arith.addi %mul3A_44, %add3A_62 : i32
      %dma_wait3A_64 = arith.constant 0 : i32
      %dma_wait3A_65 = tpu.memref_slice %arg17[%dma_wait3A_64] : memref<7168xi32, #tpu.memory_space<vmem>> -> memref<224xi32, #tpu.memory_space<vmem>>
      %dma_wait3A_66 = arith.constant 0 : i32
      %dma_wait3A_67 = arith.constant 0 : i32
      %dma_wait3A_68 = tpu.memref_slice %arg6[%dma_wait3A_66, %dma_wait3A_67] : memref<100000x64xbf16, #tpu.memory_space<hbm>> -> memref<100000x64xbf16, #tpu.memory_space<hbm>>
      tpu.wait_indirect_dma semaphore(%arg28 : memref<!tpu.dma_semaphore, #tpu.memory_space<semaphore_mem>>) src(%dma_wait3A_68 : memref<100000x64xbf16, #tpu.memory_space<hbm>>) dst(%arg20 : memref<224x64xbf16, #tpu.memory_space<vmem>>)
      %scan3A_69 = arith.constant 0 : i32
      %scan3A_70 = arith.constant 0 : i32
      %scan3A_71 = arith.constant 4 : i32
      %scan3A_72 = arith.addi %scan3A_70, %scan3A_71 : i32
      %scan3A_73 = arith.constant 1 : i32
      scf.for %scan3A_122 = %scan3A_70 to %scan3A_72 step %scan3A_73  : i32 {
        %broadcast_in_dim3A = arith.constant 0.000000e+00 : f32
        %broadcast_in_dim3A_123 = vector.broadcast %broadcast_in_dim3A : f32 to vector<16xf32>
        %broadcast_in_dim3A_124 = arith.constant 0.000000e+00 : f32
        %broadcast_in_dim3A_125 = vector.broadcast %broadcast_in_dim3A_124 : f32 to vector<16xf32>
        %broadcast_in_dim3A_126 = arith.constant 0.000000e+00 : f32
        %broadcast_in_dim3A_127 = vector.broadcast %broadcast_in_dim3A_126 : f32 to vector<16xf32>
        %broadcast_in_dim3A_128 = arith.constant 0.000000e+00 : f32
        %broadcast_in_dim3A_129 = vector.broadcast %broadcast_in_dim3A_128 : f32 to vector<16xf32>
        %scan3A_130 = arith.constant 0 : i32
        %scan3A_131 = arith.constant 7 : i32
        %scan3A_132 = arith.addi %scan3A_130, %scan3A_131 : i32
        %scan3A_133 = arith.constant 1 : i32
        %scan3A_134:4 = scf.for %scan3A_159 = %scan3A_130 to %scan3A_132 step %scan3A_133 iter_args(%scan3A_160 = %broadcast_in_dim3A_123, %scan3A_161 = %broadcast_in_dim3A_125, %scan3A_162 = %broadcast_in_dim3A_127, %scan3A_163 = %broadcast_in_dim3A_129) -> (vector<16xf32>, vector<16xf32>, vector<16xf32>, vector<16xf32>)  : i32 {
          %mul3A_164 = arith.constant 56 : i32
          %mul3A_165 = arith.muli %scan3A_122, %mul3A_164 : i32
          %mul3A_166 = arith.constant 8 : i32
          %mul3A_167 = arith.muli %mul3A_166, %scan3A_159 : i32
          %add3A_168 = arith.addi %mul3A_165, %mul3A_167 : i32
          %add3A_169 = arith.constant 0 : i32
          %add3A_170 = arith.addi %add3A_168, %add3A_169 : i32
          %get3A = arith.index_cast %add3A_170 : i32 to index
          %get3A_171 = arith.constant 0 : index
          %get3A_172 = tpu.vector_load %arg20[%get3A, %get3A_171] {strides = array<i32>} : memref<224x64xbf16, #tpu.memory_space<vmem>>, vector<32xbf16>,
          %unpack3A = tpu.unpack_subelements %get3A_172, 0 {pack_format = #tpu.pack_format<interleaved>} : vector<32xbf16> -> vector<16xf32>
          %unpack3A_173 = tpu.unpack_subelements %get3A_172, 1 {pack_format = #tpu.pack_format<interleaved>} : vector<32xbf16> -> vector<16xf32>
          %add3A_174 = arith.addf %scan3A_160, %unpack3A : vector<16xf32>
          %add3A_175 = arith.addf %scan3A_161, %unpack3A_173 : vector<16xf32>
          %get3A_176 = arith.index_cast %add3A_170 : i32 to index
          %get3A_177 = arith.constant 32 : index
          %get3A_178 = tpu.vector_load %arg20[%get3A_176, %get3A_177] {strides = array<i32>} : memref<224x64xbf16, #tpu.memory_space<vmem>>, vector<32xbf16>,
          %unpack3A_179 = tpu.unpack_subelements %get3A_178, 0 {pack_format = #tpu.pack_format<interleaved>} : vector<32xbf16> -> vector<16xf32>
          %unpack3A_180 = tpu.unpack_subelements %get3A_178, 1 {pack_format = #tpu.pack_format<interleaved>} : vector<32xbf16> -> vector<16xf32>
          %add3A_181 = arith.addf %scan3A_162, %unpack3A_179 : vector<16xf32>
          %add3A_182 = arith.addf %scan3A_163, %unpack3A_180 : vector<16xf32>
          %mul3A_183 = arith.constant 56 : i32
          %mul3A_184 = arith.muli %scan3A_122, %mul3A_183 : i32
          %mul3A_185 = arith.constant 8 : i32
          %mul3A_186 = arith.muli %mul3A_185, %scan3A_159 : i32
          %add3A_187 = arith.addi %mul3A_184, %mul3A_186 : i32
          %add3A_188 = arith.constant 1 : i32
          %add3A_189 = arith.addi %add3A_187, %add3A_188 : i32
          %get3A_190 = arith.index_cast %add3A_189 : i32 to index
          %get3A_191 = arith.constant 0 : index
          %get3A_192 = tpu.vector_load %arg20[%get3A_190, %get3A_191] {strides = array<i32>} : memref<224x64xbf16, #tpu.memory_space<vmem>>, vector<32xbf16>,
          %unpack3A_193 = tpu.unpack_subelements %get3A_192, 0 {pack_format = #tpu.pack_format<interleaved>} : vector<32xbf16> -> vector<16xf32>
          %unpack3A_194 = tpu.unpack_subelements %get3A_192, 1 {pack_format = #tpu.pack_format<interleaved>} : vector<32xbf16> -> vector<16xf32>
          %add3A_195 = arith.addf %add3A_174, %unpack3A_193 : vector<16xf32>
          %add3A_196 = arith.addf %add3A_175, %unpack3A_194 : vector<16xf32>
          %get3A_197 = arith.index_cast %add3A_189 : i32 to index
          %get3A_198 = arith.constant 32 : index
          %get3A_199 = tpu.vector_load %arg20[%get3A_197, %get3A_198] {strides = array<i32>} : memref<224x64xbf16, #tpu.memory_space<vmem>>, vector<32xbf16>,
          %unpack3A_200 = tpu.unpack_subelements %get3A_199, 0 {pack_format = #tpu.pack_format<interleaved>} : vector<32xbf16> -> vector<16xf32>
          %unpack3A_201 = tpu.unpack_subelements %get3A_199, 1 {pack_format = #tpu.pack_format<interleaved>} : vector<32xbf16> -> vector<16xf32>
          %add3A_202 = arith.addf %add3A_181, %unpack3A_200 : vector<16xf32>
          %add3A_203 = arith.addf %add3A_182, %unpack3A_201 : vector<16xf32>
          %mul3A_204 = arith.constant 56 : i32
          %mul3A_205 = arith.muli %scan3A_122, %mul3A_204 : i32
          %mul3A_206 = arith.constant 8 : i32
          %mul3A_207 = arith.muli %mul3A_206, %scan3A_159 : i32
          %add3A_208 = arith.addi %mul3A_205, %mul3A_207 : i32
          %add3A_209 = arith.constant 2 : i32
          %add3A_210 = arith.addi %add3A_208, %add3A_209 : i32
          %get3A_211 = arith.index_cast %add3A_210 : i32 to index
          %get3A_212 = arith.constant 0 : index
          %get3A_213 = tpu.vector_load %arg20[%get3A_211, %get3A_212] {strides = array<i32>} : memref<224x64xbf16, #tpu.memory_space<vmem>>, vector<32xbf16>,
          %unpack3A_214 = tpu.unpack_subelements %get3A_213, 0 {pack_format = #tpu.pack_format<interleaved>} : vector<32xbf16> -> vector<16xf32>
          %unpack3A_215 = tpu.unpack_subelements %get3A_213, 1 {pack_format = #tpu.pack_format<interleaved>} : vector<32xbf16> -> vector<16xf32>
          %add3A_216 = arith.addf %add3A_195, %unpack3A_214 : vector<16xf32>
          %add3A_217 = arith.addf %add3A_196, %unpack3A_215 : vector<16xf32>
          %get3A_218 = arith.index_cast %add3A_210 : i32 to index
          %get3A_219 = arith.constant 32 : index
          %get3A_220 = tpu.vector_load %arg20[%get3A_218, %get3A_219] {strides = array<i32>} : memref<224x64xbf16, #tpu.memory_space<vmem>>, vector<32xbf16>,
          %unpack3A_221 = tpu.unpack_subelements %get3A_220, 0 {pack_format = #tpu.pack_format<interleaved>} : vector<32xbf16> -> vector<16xf32>
          %unpack3A_222 = tpu.unpack_subelements %get3A_220, 1 {pack_format = #tpu.pack_format<interleaved>} : vector<32xbf16> -> vector<16xf32>
          %add3A_223 = arith.addf %add3A_202, %unpack3A_221 : vector<16xf32>
          %add3A_224 = arith.addf %add3A_203, %unpack3A_222 : vector<16xf32>
          %mul3A_225 = arith.constant 56 : i32
          %mul3A_226 = arith.muli %scan3A_122, %mul3A_225 : i32
          %mul3A_227 = arith.constant 8 : i32
          %mul3A_228 = arith.muli %mul3A_227, %scan3A_159 : i32
          %add3A_229 = arith.addi %mul3A_226, %mul3A_228 : i32
          %add3A_230 = arith.constant 3 : i32
          %add3A_231 = arith.addi %add3A_229, %add3A_230 : i32
          %get3A_232 = arith.index_cast %add3A_231 : i32 to index
          %get3A_233 = arith.constant 0 : index
          %get3A_234 = tpu.vector_load %arg20[%get3A_232, %get3A_233] {strides = array<i32>} : memref<224x64xbf16, #tpu.memory_space<vmem>>, vector<32xbf16>,
          %unpack3A_235 = tpu.unpack_subelements %get3A_234, 0 {pack_format = #tpu.pack_format<interleaved>} : vector<32xbf16> -> vector<16xf32>
          %unpack3A_236 = tpu.unpack_subelements %get3A_234, 1 {pack_format = #tpu.pack_format<interleaved>} : vector<32xbf16> -> vector<16xf32>
          %add3A_237 = arith.addf %add3A_216, %unpack3A_235 : vector<16xf32>
          %add3A_238 = arith.addf %add3A_217, %unpack3A_236 : vector<16xf32>
          %get3A_239 = arith.index_cast %add3A_231 : i32 to index
          %get3A_240 = arith.constant 32 : index
          %get3A_241 = tpu.vector_load %arg20[%get3A_239, %get3A_240] {strides = array<i32>} : memref<224x64xbf16, #tpu.memory_space<vmem>>, vector<32xbf16>,
          %unpack3A_242 = tpu.unpack_subelements %get3A_241, 0 {pack_format = #tpu.pack_format<interleaved>} : vector<32xbf16> -> vector<16xf32>
          %unpack3A_243 = tpu.unpack_subelements %get3A_241, 1 {pack_format = #tpu.pack_format<interleaved>} : vector<32xbf16> -> vector<16xf32>
          %add3A_244 = arith.addf %add3A_223, %unpack3A_242 : vector<16xf32>
          %add3A_245 = arith.addf %add3A_224, %unpack3A_243 : vector<16xf32>
          %mul3A_246 = arith.constant 56 : i32
          %mul3A_247 = arith.muli %scan3A_122, %mul3A_246 : i32
          %mul3A_248 = arith.constant 8 : i32
          %mul3A_249 = arith.muli %mul3A_248, %scan3A_159 : i32
          %add3A_250 = arith.addi %mul3A_247, %mul3A_249 : i32
          %add3A_251 = arith.constant 4 : i32
          %add3A_252 = arith.addi %add3A_250, %add3A_251 : i32
          %get3A_253 = arith.index_cast %add3A_252 : i32 to index
          %get3A_254 = arith.constant 0 : index
          %get3A_255 = tpu.vector_load %arg20[%get3A_253, %get3A_254] {strides = array<i32>} : memref<224x64xbf16, #tpu.memory_space<vmem>>, vector<32xbf16>,
          %unpack3A_256 = tpu.unpack_subelements %get3A_255, 0 {pack_format = #tpu.pack_format<interleaved>} : vector<32xbf16> -> vector<16xf32>
          %unpack3A_257 = tpu.unpack_subelements %get3A_255, 1 {pack_format = #tpu.pack_format<interleaved>} : vector<32xbf16> -> vector<16xf32>
          %add3A_258 = arith.addf %add3A_237, %unpack3A_256 : vector<16xf32>
          %add3A_259 = arith.addf %add3A_238, %unpack3A_257 : vector<16xf32>
          %get3A_260 = arith.index_cast %add3A_252 : i32 to index
          %get3A_261 = arith.constant 32 : index
          %get3A_262 = tpu.vector_load %arg20[%get3A_260, %get3A_261] {strides = array<i32>} : memref<224x64xbf16, #tpu.memory_space<vmem>>, vector<32xbf16>,
          %unpack3A_263 = tpu.unpack_subelements %get3A_262, 0 {pack_format = #tpu.pack_format<interleaved>} : vector<32xbf16> -> vector<16xf32>
          %unpack3A_264 = tpu.unpack_subelements %get3A_262, 1 {pack_format = #tpu.pack_format<interleaved>} : vector<32xbf16> -> vector<16xf32>
          %add3A_265 = arith.addf %add3A_244, %unpack3A_263 : vector<16xf32>
          %add3A_266 = arith.addf %add3A_245, %unpack3A_264 : vector<16xf32>
          %mul3A_267 = arith.constant 56 : i32
          %mul3A_268 = arith.muli %scan3A_122, %mul3A_267 : i32
          %mul3A_269 = arith.constant 8 : i32
          %mul3A_270 = arith.muli %mul3A_269, %scan3A_159 : i32
          %add3A_271 = arith.addi %mul3A_268, %mul3A_270 : i32
          %add3A_272 = arith.constant 5 : i32
          %add3A_273 = arith.addi %add3A_271, %add3A_272 : i32
          %get3A_274 = arith.index_cast %add3A_273 : i32 to index
          %get3A_275 = arith.constant 0 : index
          %get3A_276 = tpu.vector_load %arg20[%get3A_274, %get3A_275] {strides = array<i32>} : memref<224x64xbf16, #tpu.memory_space<vmem>>, vector<32xbf16>,
          %unpack3A_277 = tpu.unpack_subelements %get3A_276, 0 {pack_format = #tpu.pack_format<interleaved>} : vector<32xbf16> -> vector<16xf32>
          %unpack3A_278 = tpu.unpack_subelements %get3A_276, 1 {pack_format = #tpu.pack_format<interleaved>} : vector<32xbf16> -> vector<16xf32>
          %add3A_279 = arith.addf %add3A_258, %unpack3A_277 : vector<16xf32>
          %add3A_280 = arith.addf %add3A_259, %unpack3A_278 : vector<16xf32>
          %get3A_281 = arith.index_cast %add3A_273 : i32 to index
          %get3A_282 = arith.constant 32 : index
          %get3A_283 = tpu.vector_load %arg20[%get3A_281, %get3A_282] {strides = array<i32>} : memref<224x64xbf16, #tpu.memory_space<vmem>>, vector<32xbf16>,
          %unpack3A_284 = tpu.unpack_subelements %get3A_283, 0 {pack_format = #tpu.pack_format<interleaved>} : vector<32xbf16> -> vector<16xf32>
          %unpack3A_285 = tpu.unpack_subelements %get3A_283, 1 {pack_format = #tpu.pack_format<interleaved>} : vector<32xbf16> -> vector<16xf32>
          %add3A_286 = arith.addf %add3A_265, %unpack3A_284 : vector<16xf32>
          %add3A_287 = arith.addf %add3A_266, %unpack3A_285 : vector<16xf32>
          %mul3A_288 = arith.constant 56 : i32
          %mul3A_289 = arith.muli %scan3A_122, %mul3A_288 : i32
          %mul3A_290 = arith.constant 8 : i32
          %mul3A_291 = arith.muli %mul3A_290, %scan3A_159 : i32
          %add3A_292 = arith.addi %mul3A_289, %mul3A_291 : i32
          %add3A_293 = arith.constant 6 : i32
          %add3A_294 = arith.addi %add3A_292, %add3A_293 : i32
          %get3A_295 = arith.index_cast %add3A_294 : i32 to index
          %get3A_296 = arith.constant 0 : index
          %get3A_297 = tpu.vector_load %arg20[%get3A_295, %get3A_296] {strides = array<i32>} : memref<224x64xbf16, #tpu.memory_space<vmem>>, vector<32xbf16>,
          %unpack3A_298 = tpu.unpack_subelements %get3A_297, 0 {pack_format = #tpu.pack_format<interleaved>} : vector<32xbf16> -> vector<16xf32>
          %unpack3A_299 = tpu.unpack_subelements %get3A_297, 1 {pack_format = #tpu.pack_format<interleaved>} : vector<32xbf16> -> vector<16xf32>
          %add3A_300 = arith.addf %add3A_279, %unpack3A_298 : vector<16xf32>
          %add3A_301 = arith.addf %add3A_280, %unpack3A_299 : vector<16xf32>
          %get3A_302 = arith.index_cast %add3A_294 : i32 to index
          %get3A_303 = arith.constant 32 : index
          %get3A_304 = tpu.vector_load %arg20[%get3A_302, %get3A_303] {strides = array<i32>} : memref<224x64xbf16, #tpu.memory_space<vmem>>, vector<32xbf16>,
          %unpack3A_305 = tpu.unpack_subelements %get3A_304, 0 {pack_format = #tpu.pack_format<interleaved>} : vector<32xbf16> -> vector<16xf32>
          %unpack3A_306 = tpu.unpack_subelements %get3A_304, 1 {pack_format = #tpu.pack_format<interleaved>} : vector<32xbf16> -> vector<16xf32>
          %add3A_307 = arith.addf %add3A_286, %unpack3A_305 : vector<16xf32>
          %add3A_308 = arith.addf %add3A_287, %unpack3A_306 : vector<16xf32>
          %mul3A_309 = arith.constant 56 : i32
          %mul3A_310 = arith.muli %scan3A_122, %mul3A_309 : i32
          %mul3A_311 = arith.constant 8 : i32
          %mul3A_312 = arith.muli %mul3A_311, %scan3A_159 : i32
          %add3A_313 = arith.addi %mul3A_310, %mul3A_312 : i32
          %add3A_314 = arith.constant 7 : i32
          %add3A_315 = arith.addi %add3A_313, %add3A_314 : i32
          %get3A_316 = arith.index_cast %add3A_315 : i32 to index
          %get3A_317 = arith.constant 0 : index
          %get3A_318 = tpu.vector_load %arg20[%get3A_316, %get3A_317] {strides = array<i32>} : memref<224x64xbf16, #tpu.memory_space<vmem>>, vector<32xbf16>,
          %unpack3A_319 = tpu.unpack_subelements %get3A_318, 0 {pack_format = #tpu.pack_format<interleaved>} : vector<32xbf16> -> vector<16xf32>
          %unpack3A_320 = tpu.unpack_subelements %get3A_318, 1 {pack_format = #tpu.pack_format<interleaved>} : vector<32xbf16> -> vector<16xf32>
          %add3A_321 = arith.addf %add3A_300, %unpack3A_319 : vector<16xf32>
          %add3A_322 = arith.addf %add3A_301, %unpack3A_320 : vector<16xf32>
          %get3A_323 = arith.index_cast %add3A_315 : i32 to index
          %get3A_324 = arith.constant 32 : index
          %get3A_325 = tpu.vector_load %arg20[%get3A_323, %get3A_324] {strides = array<i32>} : memref<224x64xbf16, #tpu.memory_space<vmem>>, vector<32xbf16>,
          %unpack3A_326 = tpu.unpack_subelements %get3A_325, 0 {pack_format = #tpu.pack_format<interleaved>} : vector<32xbf16> -> vector<16xf32>
          %unpack3A_327 = tpu.unpack_subelements %get3A_325, 1 {pack_format = #tpu.pack_format<interleaved>} : vector<32xbf16> -> vector<16xf32>
          %add3A_328 = arith.addf %add3A_307, %unpack3A_326 : vector<16xf32>
          %add3A_329 = arith.addf %add3A_308, %unpack3A_327 : vector<16xf32>
          scf.yield %add3A_321, %add3A_322, %add3A_328, %add3A_329 : vector<16xf32>, vector<16xf32>, vector<16xf32>, vector<16xf32>
        }
        %scan3A_135 = arith.constant 7 : i32
        %mul3A_136 = arith.constant 4 : i32
        %mul3A_137 = arith.muli %add3A_63, %mul3A_136 : i32
        %add3A_138 = arith.addi %mul3A_137, %scan3A_122 : i32
        %swap3A = arith.index_cast %add3A_138 : i32 to index
        %swap3A_139 = arith.constant 0 : index
        %swap3A_140 = tpu.vector_load %arg23[%swap3A, %swap3A_139] {strides = array<i32>} : memref<128x64xf32, #tpu.memory_space<vmem>>, vector<16xf32>,
        tpu.vector_store %arg23[%swap3A, %swap3A_139], %scan3A_134#0 {strides = array<i32>} : memref<128x64xf32, #tpu.memory_space<vmem>>, vector<16xf32>,
        %mul3A_141 = arith.constant 4 : i32
        %mul3A_142 = arith.muli %add3A_63, %mul3A_141 : i32
        %add3A_143 = arith.addi %mul3A_142, %scan3A_122 : i32
        %swap3A_144 = arith.index_cast %add3A_143 : i32 to index
        %swap3A_145 = arith.constant 16 : index
        %swap3A_146 = tpu.vector_load %arg23[%swap3A_144, %swap3A_145] {strides = array<i32>} : memref<128x64xf32, #tpu.memory_space<vmem>>, vector<16xf32>,
        tpu.vector_store %arg23[%swap3A_144, %swap3A_145], %scan3A_134#1 {strides = array<i32>} : memref<128x64xf32, #tpu.memory_space<vmem>>, vector<16xf32>,
        %mul3A_147 = arith.constant 4 : i32
        %mul3A_148 = arith.muli %add3A_63, %mul3A_147 : i32
        %add3A_149 = arith.addi %mul3A_148, %scan3A_122 : i32
        %swap3A_150 = arith.index_cast %add3A_149 : i32 to index
        %swap3A_151 = arith.constant 32 : index
        %swap3A_152 = tpu.vector_load %arg23[%swap3A_150, %swap3A_151] {strides = array<i32>} : memref<128x64xf32, #tpu.memory_space<vmem>>, vector<16xf32>,
        tpu.vector_store %arg23[%swap3A_150, %swap3A_151], %scan3A_134#2 {strides = array<i32>} : memref<128x64xf32, #tpu.memory_space<vmem>>, vector<16xf32>,
        %mul3A_153 = arith.constant 4 : i32
        %mul3A_154 = arith.muli %add3A_63, %mul3A_153 : i32
        %add3A_155 = arith.addi %mul3A_154, %scan3A_122 : i32
        %swap3A_156 = arith.index_cast %add3A_155 : i32 to index
        %swap3A_157 = arith.constant 48 : index
        %swap3A_158 = tpu.vector_load %arg23[%swap3A_156, %swap3A_157] {strides = array<i32>} : memref<128x64xf32, #tpu.memory_space<vmem>>, vector<16xf32>,
        tpu.vector_store %arg23[%swap3A_156, %swap3A_157], %scan3A_134#3 {strides = array<i32>} : memref<128x64xf32, #tpu.memory_space<vmem>>, vector<16xf32>,
      }
      %scan3A_74 = arith.constant 4 : i32
      %add3A_75 = arith.constant 2 : i32
      %add3A_76 = arith.addi %add3A_63, %add3A_75 : i32
      %lt3A_77 = arith.constant 32 : i32
      %lt3A_78 = arith.cmpi slt, %add3A_76, %lt3A_77 : i32
      %convert_element_type3A_79 = arith.extui %lt3A_78 : i1 to i32
      %cond3A_80 = arith.constant 0 : i32
      %cond3A_81 = arith.cmpi ne, %convert_element_type3A_79, %cond3A_80 : i32
      scf.if %cond3A_81 {
        %add3A_122 = arith.constant 2 : i32
        %add3A_123 = arith.addi %add3A_63, %add3A_122 : i32
        %mul3A_124 = arith.constant 224 : i32
        %mul3A_125 = arith.muli %add3A_123, %mul3A_124 : i32
        %dma_start3A_126 = tpu.memref_slice %arg17[%mul3A_125] : memref<7168xi32, #tpu.memory_space<vmem>> -> memref<224xi32, #tpu.memory_space<vmem>>
        %dma_start3A_127 = arith.constant 0 : i32
        %dma_start3A_128 = arith.constant 0 : i32
        %dma_start3A_129 = tpu.memref_slice %arg6[%dma_start3A_127, %dma_start3A_128] : memref<100000x64xbf16, #tpu.memory_space<hbm>> -> memref<100000x64xbf16, #tpu.memory_space<hbm>>
        tpu.enqueue_indirect_dma source(%dma_start3A_129 : memref<100000x64xbf16, #tpu.memory_space<hbm>>) target(%arg20 : memref<224x64xbf16, #tpu.memory_space<vmem>>) offsets(%dma_start3A_126 : memref<224xi32, #tpu.memory_space<vmem>>) semaphore(%arg28 : memref<!tpu.dma_semaphore, #tpu.memory_space<semaphore_mem>>)
      } else {
      }
      %add3A_82 = arith.constant 1 : i32
      %add3A_83 = arith.addi %mul3A_44, %add3A_82 : i32
      %dma_wait3A_84 = arith.constant 0 : i32
      %dma_wait3A_85 = tpu.memref_slice %arg16[%dma_wait3A_84] : memref<7168xi32, #tpu.memory_space<vmem>> -> memref<224xi32, #tpu.memory_space<vmem>>
      %dma_wait3A_86 = arith.constant 0 : i32
      %dma_wait3A_87 = arith.constant 0 : i32
      %dma_wait3A_88 = tpu.memref_slice %arg7[%dma_wait3A_86, %dma_wait3A_87] : memref<100000x64xbf16, #tpu.memory_space<hbm>> -> memref<100000x64xbf16, #tpu.memory_space<hbm>>
      tpu.wait_indirect_dma semaphore(%arg27 : memref<!tpu.dma_semaphore, #tpu.memory_space<semaphore_mem>>) src(%dma_wait3A_88 : memref<100000x64xbf16, #tpu.memory_space<hbm>>) dst(%arg19 : memref<224x64xbf16, #tpu.memory_space<vmem>>)
      %scan3A_89 = arith.constant 0 : i32
      %scan3A_90 = arith.constant 0 : i32
      %scan3A_91 = arith.constant 4 : i32
      %scan3A_92 = arith.addi %scan3A_90, %scan3A_91 : i32
      %scan3A_93 = arith.constant 1 : i32
      scf.for %scan3A_122 = %scan3A_90 to %scan3A_92 step %scan3A_93  : i32 {
        %broadcast_in_dim3A = arith.constant 0.000000e+00 : f32
        %broadcast_in_dim3A_123 = vector.broadcast %broadcast_in_dim3A : f32 to vector<16xf32>
        %broadcast_in_dim3A_124 = arith.constant 0.000000e+00 : f32
        %broadcast_in_dim3A_125 = vector.broadcast %broadcast_in_dim3A_124 : f32 to vector<16xf32>
        %broadcast_in_dim3A_126 = arith.constant 0.000000e+00 : f32
        %broadcast_in_dim3A_127 = vector.broadcast %broadcast_in_dim3A_126 : f32 to vector<16xf32>
        %broadcast_in_dim3A_128 = arith.constant 0.000000e+00 : f32
        %broadcast_in_dim3A_129 = vector.broadcast %broadcast_in_dim3A_128 : f32 to vector<16xf32>
        %scan3A_130 = arith.constant 0 : i32
        %scan3A_131 = arith.constant 7 : i32
        %scan3A_132 = arith.addi %scan3A_130, %scan3A_131 : i32
        %scan3A_133 = arith.constant 1 : i32
        %scan3A_134:4 = scf.for %scan3A_159 = %scan3A_130 to %scan3A_132 step %scan3A_133 iter_args(%scan3A_160 = %broadcast_in_dim3A_123, %scan3A_161 = %broadcast_in_dim3A_125, %scan3A_162 = %broadcast_in_dim3A_127, %scan3A_163 = %broadcast_in_dim3A_129) -> (vector<16xf32>, vector<16xf32>, vector<16xf32>, vector<16xf32>)  : i32 {
          %mul3A_164 = arith.constant 56 : i32
          %mul3A_165 = arith.muli %scan3A_122, %mul3A_164 : i32
          %mul3A_166 = arith.constant 8 : i32
          %mul3A_167 = arith.muli %mul3A_166, %scan3A_159 : i32
          %add3A_168 = arith.addi %mul3A_165, %mul3A_167 : i32
          %add3A_169 = arith.constant 0 : i32
          %add3A_170 = arith.addi %add3A_168, %add3A_169 : i32
          %get3A = arith.index_cast %add3A_170 : i32 to index
          %get3A_171 = arith.constant 0 : index
          %get3A_172 = tpu.vector_load %arg19[%get3A, %get3A_171] {strides = array<i32>} : memref<224x64xbf16, #tpu.memory_space<vmem>>, vector<32xbf16>,
          %unpack3A = tpu.unpack_subelements %get3A_172, 0 {pack_format = #tpu.pack_format<interleaved>} : vector<32xbf16> -> vector<16xf32>
          %unpack3A_173 = tpu.unpack_subelements %get3A_172, 1 {pack_format = #tpu.pack_format<interleaved>} : vector<32xbf16> -> vector<16xf32>
          %add3A_174 = arith.addf %scan3A_160, %unpack3A : vector<16xf32>
          %add3A_175 = arith.addf %scan3A_161, %unpack3A_173 : vector<16xf32>
          %get3A_176 = arith.index_cast %add3A_170 : i32 to index
          %get3A_177 = arith.constant 32 : index
          %get3A_178 = tpu.vector_load %arg19[%get3A_176, %get3A_177] {strides = array<i32>} : memref<224x64xbf16, #tpu.memory_space<vmem>>, vector<32xbf16>,
          %unpack3A_179 = tpu.unpack_subelements %get3A_178, 0 {pack_format = #tpu.pack_format<interleaved>} : vector<32xbf16> -> vector<16xf32>
          %unpack3A_180 = tpu.unpack_subelements %get3A_178, 1 {pack_format = #tpu.pack_format<interleaved>} : vector<32xbf16> -> vector<16xf32>
          %add3A_181 = arith.addf %scan3A_162, %unpack3A_179 : vector<16xf32>
          %add3A_182 = arith.addf %scan3A_163, %unpack3A_180 : vector<16xf32>
          %mul3A_183 = arith.constant 56 : i32
          %mul3A_184 = arith.muli %scan3A_122, %mul3A_183 : i32
          %mul3A_185 = arith.constant 8 : i32
          %mul3A_186 = arith.muli %mul3A_185, %scan3A_159 : i32
          %add3A_187 = arith.addi %mul3A_184, %mul3A_186 : i32
          %add3A_188 = arith.constant 1 : i32
          %add3A_189 = arith.addi %add3A_187, %add3A_188 : i32
          %get3A_190 = arith.index_cast %add3A_189 : i32 to index
          %get3A_191 = arith.constant 0 : index
          %get3A_192 = tpu.vector_load %arg19[%get3A_190, %get3A_191] {strides = array<i32>} : memref<224x64xbf16, #tpu.memory_space<vmem>>, vector<32xbf16>,
          %unpack3A_193 = tpu.unpack_subelements %get3A_192, 0 {pack_format = #tpu.pack_format<interleaved>} : vector<32xbf16> -> vector<16xf32>
          %unpack3A_194 = tpu.unpack_subelements %get3A_192, 1 {pack_format = #tpu.pack_format<interleaved>} : vector<32xbf16> -> vector<16xf32>
          %add3A_195 = arith.addf %add3A_174, %unpack3A_193 : vector<16xf32>
          %add3A_196 = arith.addf %add3A_175, %unpack3A_194 : vector<16xf32>
          %get3A_197 = arith.index_cast %add3A_189 : i32 to index
          %get3A_198 = arith.constant 32 : index
          %get3A_199 = tpu.vector_load %arg19[%get3A_197, %get3A_198] {strides = array<i32>} : memref<224x64xbf16, #tpu.memory_space<vmem>>, vector<32xbf16>,
          %unpack3A_200 = tpu.unpack_subelements %get3A_199, 0 {pack_format = #tpu.pack_format<interleaved>} : vector<32xbf16> -> vector<16xf32>
          %unpack3A_201 = tpu.unpack_subelements %get3A_199, 1 {pack_format = #tpu.pack_format<interleaved>} : vector<32xbf16> -> vector<16xf32>
          %add3A_202 = arith.addf %add3A_181, %unpack3A_200 : vector<16xf32>
          %add3A_203 = arith.addf %add3A_182, %unpack3A_201 : vector<16xf32>
          %mul3A_204 = arith.constant 56 : i32
          %mul3A_205 = arith.muli %scan3A_122, %mul3A_204 : i32
          %mul3A_206 = arith.constant 8 : i32
          %mul3A_207 = arith.muli %mul3A_206, %scan3A_159 : i32
          %add3A_208 = arith.addi %mul3A_205, %mul3A_207 : i32
          %add3A_209 = arith.constant 2 : i32
          %add3A_210 = arith.addi %add3A_208, %add3A_209 : i32
          %get3A_211 = arith.index_cast %add3A_210 : i32 to index
          %get3A_212 = arith.constant 0 : index
          %get3A_213 = tpu.vector_load %arg19[%get3A_211, %get3A_212] {strides = array<i32>} : memref<224x64xbf16, #tpu.memory_space<vmem>>, vector<32xbf16>,
          %unpack3A_214 = tpu.unpack_subelements %get3A_213, 0 {pack_format = #tpu.pack_format<interleaved>} : vector<32xbf16> -> vector<16xf32>
          %unpack3A_215 = tpu.unpack_subelements %get3A_213, 1 {pack_format = #tpu.pack_format<interleaved>} : vector<32xbf16> -> vector<16xf32>
          %add3A_216 = arith.addf %add3A_195, %unpack3A_214 : vector<16xf32>
          %add3A_217 = arith.addf %add3A_196, %unpack3A_215 : vector<16xf32>
          %get3A_218 = arith.index_cast %add3A_210 : i32 to index
          %get3A_219 = arith.constant 32 : index
          %get3A_220 = tpu.vector_load %arg19[%get3A_218, %get3A_219] {strides = array<i32>} : memref<224x64xbf16, #tpu.memory_space<vmem>>, vector<32xbf16>,
          %unpack3A_221 = tpu.unpack_subelements %get3A_220, 0 {pack_format = #tpu.pack_format<interleaved>} : vector<32xbf16> -> vector<16xf32>
          %unpack3A_222 = tpu.unpack_subelements %get3A_220, 1 {pack_format = #tpu.pack_format<interleaved>} : vector<32xbf16> -> vector<16xf32>
          %add3A_223 = arith.addf %add3A_202, %unpack3A_221 : vector<16xf32>
          %add3A_224 = arith.addf %add3A_203, %unpack3A_222 : vector<16xf32>
          %mul3A_225 = arith.constant 56 : i32
          %mul3A_226 = arith.muli %scan3A_122, %mul3A_225 : i32
          %mul3A_227 = arith.constant 8 : i32
          %mul3A_228 = arith.muli %mul3A_227, %scan3A_159 : i32
          %add3A_229 = arith.addi %mul3A_226, %mul3A_228 : i32
          %add3A_230 = arith.constant 3 : i32
          %add3A_231 = arith.addi %add3A_229, %add3A_230 : i32
          %get3A_232 = arith.index_cast %add3A_231 : i32 to index
          %get3A_233 = arith.constant 0 : index
          %get3A_234 = tpu.vector_load %arg19[%get3A_232, %get3A_233] {strides = array<i32>} : memref<224x64xbf16, #tpu.memory_space<vmem>>, vector<32xbf16>,
          %unpack3A_235 = tpu.unpack_subelements %get3A_234, 0 {pack_format = #tpu.pack_format<interleaved>} : vector<32xbf16> -> vector<16xf32>
          %unpack3A_236 = tpu.unpack_subelements %get3A_234, 1 {pack_format = #tpu.pack_format<interleaved>} : vector<32xbf16> -> vector<16xf32>
          %add3A_237 = arith.addf %add3A_216, %unpack3A_235 : vector<16xf32>
          %add3A_238 = arith.addf %add3A_217, %unpack3A_236 : vector<16xf32>
          %get3A_239 = arith.index_cast %add3A_231 : i32 to index
          %get3A_240 = arith.constant 32 : index
          %get3A_241 = tpu.vector_load %arg19[%get3A_239, %get3A_240] {strides = array<i32>} : memref<224x64xbf16, #tpu.memory_space<vmem>>, vector<32xbf16>,
          %unpack3A_242 = tpu.unpack_subelements %get3A_241, 0 {pack_format = #tpu.pack_format<interleaved>} : vector<32xbf16> -> vector<16xf32>
          %unpack3A_243 = tpu.unpack_subelements %get3A_241, 1 {pack_format = #tpu.pack_format<interleaved>} : vector<32xbf16> -> vector<16xf32>
          %add3A_244 = arith.addf %add3A_223, %unpack3A_242 : vector<16xf32>
          %add3A_245 = arith.addf %add3A_224, %unpack3A_243 : vector<16xf32>
          %mul3A_246 = arith.constant 56 : i32
          %mul3A_247 = arith.muli %scan3A_122, %mul3A_246 : i32
          %mul3A_248 = arith.constant 8 : i32
          %mul3A_249 = arith.muli %mul3A_248, %scan3A_159 : i32
          %add3A_250 = arith.addi %mul3A_247, %mul3A_249 : i32
          %add3A_251 = arith.constant 4 : i32
          %add3A_252 = arith.addi %add3A_250, %add3A_251 : i32
          %get3A_253 = arith.index_cast %add3A_252 : i32 to index
          %get3A_254 = arith.constant 0 : index
          %get3A_255 = tpu.vector_load %arg19[%get3A_253, %get3A_254] {strides = array<i32>} : memref<224x64xbf16, #tpu.memory_space<vmem>>, vector<32xbf16>,
          %unpack3A_256 = tpu.unpack_subelements %get3A_255, 0 {pack_format = #tpu.pack_format<interleaved>} : vector<32xbf16> -> vector<16xf32>
          %unpack3A_257 = tpu.unpack_subelements %get3A_255, 1 {pack_format = #tpu.pack_format<interleaved>} : vector<32xbf16> -> vector<16xf32>
          %add3A_258 = arith.addf %add3A_237, %unpack3A_256 : vector<16xf32>
          %add3A_259 = arith.addf %add3A_238, %unpack3A_257 : vector<16xf32>
          %get3A_260 = arith.index_cast %add3A_252 : i32 to index
          %get3A_261 = arith.constant 32 : index
          %get3A_262 = tpu.vector_load %arg19[%get3A_260, %get3A_261] {strides = array<i32>} : memref<224x64xbf16, #tpu.memory_space<vmem>>, vector<32xbf16>,
          %unpack3A_263 = tpu.unpack_subelements %get3A_262, 0 {pack_format = #tpu.pack_format<interleaved>} : vector<32xbf16> -> vector<16xf32>
          %unpack3A_264 = tpu.unpack_subelements %get3A_262, 1 {pack_format = #tpu.pack_format<interleaved>} : vector<32xbf16> -> vector<16xf32>
          %add3A_265 = arith.addf %add3A_244, %unpack3A_263 : vector<16xf32>
          %add3A_266 = arith.addf %add3A_245, %unpack3A_264 : vector<16xf32>
          %mul3A_267 = arith.constant 56 : i32
          %mul3A_268 = arith.muli %scan3A_122, %mul3A_267 : i32
          %mul3A_269 = arith.constant 8 : i32
          %mul3A_270 = arith.muli %mul3A_269, %scan3A_159 : i32
          %add3A_271 = arith.addi %mul3A_268, %mul3A_270 : i32
          %add3A_272 = arith.constant 5 : i32
          %add3A_273 = arith.addi %add3A_271, %add3A_272 : i32
          %get3A_274 = arith.index_cast %add3A_273 : i32 to index
          %get3A_275 = arith.constant 0 : index
          %get3A_276 = tpu.vector_load %arg19[%get3A_274, %get3A_275] {strides = array<i32>} : memref<224x64xbf16, #tpu.memory_space<vmem>>, vector<32xbf16>,
          %unpack3A_277 = tpu.unpack_subelements %get3A_276, 0 {pack_format = #tpu.pack_format<interleaved>} : vector<32xbf16> -> vector<16xf32>
          %unpack3A_278 = tpu.unpack_subelements %get3A_276, 1 {pack_format = #tpu.pack_format<interleaved>} : vector<32xbf16> -> vector<16xf32>
          %add3A_279 = arith.addf %add3A_258, %unpack3A_277 : vector<16xf32>
          %add3A_280 = arith.addf %add3A_259, %unpack3A_278 : vector<16xf32>
          %get3A_281 = arith.index_cast %add3A_273 : i32 to index
          %get3A_282 = arith.constant 32 : index
          %get3A_283 = tpu.vector_load %arg19[%get3A_281, %get3A_282] {strides = array<i32>} : memref<224x64xbf16, #tpu.memory_space<vmem>>, vector<32xbf16>,
          %unpack3A_284 = tpu.unpack_subelements %get3A_283, 0 {pack_format = #tpu.pack_format<interleaved>} : vector<32xbf16> -> vector<16xf32>
          %unpack3A_285 = tpu.unpack_subelements %get3A_283, 1 {pack_format = #tpu.pack_format<interleaved>} : vector<32xbf16> -> vector<16xf32>
          %add3A_286 = arith.addf %add3A_265, %unpack3A_284 : vector<16xf32>
          %add3A_287 = arith.addf %add3A_266, %unpack3A_285 : vector<16xf32>
          %mul3A_288 = arith.constant 56 : i32
          %mul3A_289 = arith.muli %scan3A_122, %mul3A_288 : i32
          %mul3A_290 = arith.constant 8 : i32
          %mul3A_291 = arith.muli %mul3A_290, %scan3A_159 : i32
          %add3A_292 = arith.addi %mul3A_289, %mul3A_291 : i32
          %add3A_293 = arith.constant 6 : i32
          %add3A_294 = arith.addi %add3A_292, %add3A_293 : i32
          %get3A_295 = arith.index_cast %add3A_294 : i32 to index
          %get3A_296 = arith.constant 0 : index
          %get3A_297 = tpu.vector_load %arg19[%get3A_295, %get3A_296] {strides = array<i32>} : memref<224x64xbf16, #tpu.memory_space<vmem>>, vector<32xbf16>,
          %unpack3A_298 = tpu.unpack_subelements %get3A_297, 0 {pack_format = #tpu.pack_format<interleaved>} : vector<32xbf16> -> vector<16xf32>
          %unpack3A_299 = tpu.unpack_subelements %get3A_297, 1 {pack_format = #tpu.pack_format<interleaved>} : vector<32xbf16> -> vector<16xf32>
          %add3A_300 = arith.addf %add3A_279, %unpack3A_298 : vector<16xf32>
          %add3A_301 = arith.addf %add3A_280, %unpack3A_299 : vector<16xf32>
          %get3A_302 = arith.index_cast %add3A_294 : i32 to index
          %get3A_303 = arith.constant 32 : index
          %get3A_304 = tpu.vector_load %arg19[%get3A_302, %get3A_303] {strides = array<i32>} : memref<224x64xbf16, #tpu.memory_space<vmem>>, vector<32xbf16>,
          %unpack3A_305 = tpu.unpack_subelements %get3A_304, 0 {pack_format = #tpu.pack_format<interleaved>} : vector<32xbf16> -> vector<16xf32>
          %unpack3A_306 = tpu.unpack_subelements %get3A_304, 1 {pack_format = #tpu.pack_format<interleaved>} : vector<32xbf16> -> vector<16xf32>
          %add3A_307 = arith.addf %add3A_286, %unpack3A_305 : vector<16xf32>
          %add3A_308 = arith.addf %add3A_287, %unpack3A_306 : vector<16xf32>
          %mul3A_309 = arith.constant 56 : i32
          %mul3A_310 = arith.muli %scan3A_122, %mul3A_309 : i32
          %mul3A_311 = arith.constant 8 : i32
          %mul3A_312 = arith.muli %mul3A_311, %scan3A_159 : i32
          %add3A_313 = arith.addi %mul3A_310, %mul3A_312 : i32
          %add3A_314 = arith.constant 7 : i32
          %add3A_315 = arith.addi %add3A_313, %add3A_314 : i32
          %get3A_316 = arith.index_cast %add3A_315 : i32 to index
          %get3A_317 = arith.constant 0 : index
          %get3A_318 = tpu.vector_load %arg19[%get3A_316, %get3A_317] {strides = array<i32>} : memref<224x64xbf16, #tpu.memory_space<vmem>>, vector<32xbf16>,
          %unpack3A_319 = tpu.unpack_subelements %get3A_318, 0 {pack_format = #tpu.pack_format<interleaved>} : vector<32xbf16> -> vector<16xf32>
          %unpack3A_320 = tpu.unpack_subelements %get3A_318, 1 {pack_format = #tpu.pack_format<interleaved>} : vector<32xbf16> -> vector<16xf32>
          %add3A_321 = arith.addf %add3A_300, %unpack3A_319 : vector<16xf32>
          %add3A_322 = arith.addf %add3A_301, %unpack3A_320 : vector<16xf32>
          %get3A_323 = arith.index_cast %add3A_315 : i32 to index
          %get3A_324 = arith.constant 32 : index
          %get3A_325 = tpu.vector_load %arg19[%get3A_323, %get3A_324] {strides = array<i32>} : memref<224x64xbf16, #tpu.memory_space<vmem>>, vector<32xbf16>,
          %unpack3A_326 = tpu.unpack_subelements %get3A_325, 0 {pack_format = #tpu.pack_format<interleaved>} : vector<32xbf16> -> vector<16xf32>
          %unpack3A_327 = tpu.unpack_subelements %get3A_325, 1 {pack_format = #tpu.pack_format<interleaved>} : vector<32xbf16> -> vector<16xf32>
          %add3A_328 = arith.addf %add3A_307, %unpack3A_326 : vector<16xf32>
          %add3A_329 = arith.addf %add3A_308, %unpack3A_327 : vector<16xf32>
          scf.yield %add3A_321, %add3A_322, %add3A_328, %add3A_329 : vector<16xf32>, vector<16xf32>, vector<16xf32>, vector<16xf32>
        }
        %scan3A_135 = arith.constant 7 : i32
        %mul3A_136 = arith.constant 4 : i32
        %mul3A_137 = arith.muli %add3A_83, %mul3A_136 : i32
        %add3A_138 = arith.addi %mul3A_137, %scan3A_122 : i32
        %swap3A = arith.index_cast %add3A_138 : i32 to index
        %swap3A_139 = arith.constant 0 : index
        %swap3A_140 = tpu.vector_load %arg22[%swap3A, %swap3A_139] {strides = array<i32>} : memref<128x64xf32, #tpu.memory_space<vmem>>, vector<16xf32>,
        tpu.vector_store %arg22[%swap3A, %swap3A_139], %scan3A_134#0 {strides = array<i32>} : memref<128x64xf32, #tpu.memory_space<vmem>>, vector<16xf32>,
        %mul3A_141 = arith.constant 4 : i32
        %mul3A_142 = arith.muli %add3A_83, %mul3A_141 : i32
        %add3A_143 = arith.addi %mul3A_142, %scan3A_122 : i32
        %swap3A_144 = arith.index_cast %add3A_143 : i32 to index
        %swap3A_145 = arith.constant 16 : index
        %swap3A_146 = tpu.vector_load %arg22[%swap3A_144, %swap3A_145] {strides = array<i32>} : memref<128x64xf32, #tpu.memory_space<vmem>>, vector<16xf32>,
        tpu.vector_store %arg22[%swap3A_144, %swap3A_145], %scan3A_134#1 {strides = array<i32>} : memref<128x64xf32, #tpu.memory_space<vmem>>, vector<16xf32>,
        %mul3A_147 = arith.constant 4 : i32
        %mul3A_148 = arith.muli %add3A_83, %mul3A_147 : i32
        %add3A_149 = arith.addi %mul3A_148, %scan3A_122 : i32
        %swap3A_150 = arith.index_cast %add3A_149 : i32 to index
        %swap3A_151 = arith.constant 32 : index
        %swap3A_152 = tpu.vector_load %arg22[%swap3A_150, %swap3A_151] {strides = array<i32>} : memref<128x64xf32, #tpu.memory_space<vmem>>, vector<16xf32>,
        tpu.vector_store %arg22[%swap3A_150, %swap3A_151], %scan3A_134#2 {strides = array<i32>} : memref<128x64xf32, #tpu.memory_space<vmem>>, vector<16xf32>,
        %mul3A_153 = arith.constant 4 : i32
        %mul3A_154 = arith.muli %add3A_83, %mul3A_153 : i32
        %add3A_155 = arith.addi %mul3A_154, %scan3A_122 : i32
        %swap3A_156 = arith.index_cast %add3A_155 : i32 to index
        %swap3A_157 = arith.constant 48 : index
        %swap3A_158 = tpu.vector_load %arg22[%swap3A_156, %swap3A_157] {strides = array<i32>} : memref<128x64xf32, #tpu.memory_space<vmem>>, vector<16xf32>,
        tpu.vector_store %arg22[%swap3A_156, %swap3A_157], %scan3A_134#3 {strides = array<i32>} : memref<128x64xf32, #tpu.memory_space<vmem>>, vector<16xf32>,
      }
      %scan3A_94 = arith.constant 4 : i32
      %add3A_95 = arith.constant 2 : i32
      %add3A_96 = arith.addi %add3A_83, %add3A_95 : i32
      %lt3A_97 = arith.constant 32 : i32
      %lt3A_98 = arith.cmpi slt, %add3A_96, %lt3A_97 : i32
      %convert_element_type3A_99 = arith.extui %lt3A_98 : i1 to i32
      %cond3A_100 = arith.constant 0 : i32
      %cond3A_101 = arith.cmpi ne, %convert_element_type3A_99, %cond3A_100 : i32
      scf.if %cond3A_101 {
        %add3A_122 = arith.constant 2 : i32
        %add3A_123 = arith.addi %add3A_83, %add3A_122 : i32
        %mul3A_124 = arith.constant 224 : i32
        %mul3A_125 = arith.muli %add3A_123, %mul3A_124 : i32
        %dma_start3A_126 = tpu.memref_slice %arg16[%mul3A_125] : memref<7168xi32, #tpu.memory_space<vmem>> -> memref<224xi32, #tpu.memory_space<vmem>>
        %dma_start3A_127 = arith.constant 0 : i32
        %dma_start3A_128 = arith.constant 0 : i32
        %dma_start3A_129 = tpu.memref_slice %arg7[%dma_start3A_127, %dma_start3A_128] : memref<100000x64xbf16, #tpu.memory_space<hbm>> -> memref<100000x64xbf16, #tpu.memory_space<hbm>>
        tpu.enqueue_indirect_dma source(%dma_start3A_129 : memref<100000x64xbf16, #tpu.memory_space<hbm>>) target(%arg19 : memref<224x64xbf16, #tpu.memory_space<vmem>>) offsets(%dma_start3A_126 : memref<224xi32, #tpu.memory_space<vmem>>) semaphore(%arg27 : memref<!tpu.dma_semaphore, #tpu.memory_space<semaphore_mem>>)
      } else {
      }
      %add3A_102 = arith.constant 1 : i32
      %add3A_103 = arith.addi %mul3A_44, %add3A_102 : i32
      %dma_wait3A_104 = arith.constant 0 : i32
      %dma_wait3A_105 = tpu.memref_slice %arg17[%dma_wait3A_104] : memref<7168xi32, #tpu.memory_space<vmem>> -> memref<224xi32, #tpu.memory_space<vmem>>
      %dma_wait3A_106 = arith.constant 0 : i32
      %dma_wait3A_107 = arith.constant 0 : i32
      %dma_wait3A_108 = tpu.memref_slice %arg6[%dma_wait3A_106, %dma_wait3A_107] : memref<100000x64xbf16, #tpu.memory_space<hbm>> -> memref<100000x64xbf16, #tpu.memory_space<hbm>>
      tpu.wait_indirect_dma semaphore(%arg29 : memref<!tpu.dma_semaphore, #tpu.memory_space<semaphore_mem>>) src(%dma_wait3A_108 : memref<100000x64xbf16, #tpu.memory_space<hbm>>) dst(%arg21 : memref<224x64xbf16, #tpu.memory_space<vmem>>)
      %scan3A_109 = arith.constant 0 : i32
      %scan3A_110 = arith.constant 0 : i32
      %scan3A_111 = arith.constant 4 : i32
      %scan3A_112 = arith.addi %scan3A_110, %scan3A_111 : i32
      %scan3A_113 = arith.constant 1 : i32
      scf.for %scan3A_122 = %scan3A_110 to %scan3A_112 step %scan3A_113  : i32 {
        %broadcast_in_dim3A = arith.constant 0.000000e+00 : f32
        %broadcast_in_dim3A_123 = vector.broadcast %broadcast_in_dim3A : f32 to vector<16xf32>
        %broadcast_in_dim3A_124 = arith.constant 0.000000e+00 : f32
        %broadcast_in_dim3A_125 = vector.broadcast %broadcast_in_dim3A_124 : f32 to vector<16xf32>
        %broadcast_in_dim3A_126 = arith.constant 0.000000e+00 : f32
        %broadcast_in_dim3A_127 = vector.broadcast %broadcast_in_dim3A_126 : f32 to vector<16xf32>
        %broadcast_in_dim3A_128 = arith.constant 0.000000e+00 : f32
        %broadcast_in_dim3A_129 = vector.broadcast %broadcast_in_dim3A_128 : f32 to vector<16xf32>
        %scan3A_130 = arith.constant 0 : i32
        %scan3A_131 = arith.constant 7 : i32
        %scan3A_132 = arith.addi %scan3A_130, %scan3A_131 : i32
        %scan3A_133 = arith.constant 1 : i32
        %scan3A_134:4 = scf.for %scan3A_159 = %scan3A_130 to %scan3A_132 step %scan3A_133 iter_args(%scan3A_160 = %broadcast_in_dim3A_123, %scan3A_161 = %broadcast_in_dim3A_125, %scan3A_162 = %broadcast_in_dim3A_127, %scan3A_163 = %broadcast_in_dim3A_129) -> (vector<16xf32>, vector<16xf32>, vector<16xf32>, vector<16xf32>)  : i32 {
          %mul3A_164 = arith.constant 56 : i32
          %mul3A_165 = arith.muli %scan3A_122, %mul3A_164 : i32
          %mul3A_166 = arith.constant 8 : i32
          %mul3A_167 = arith.muli %mul3A_166, %scan3A_159 : i32
          %add3A_168 = arith.addi %mul3A_165, %mul3A_167 : i32
          %add3A_169 = arith.constant 0 : i32
          %add3A_170 = arith.addi %add3A_168, %add3A_169 : i32
          %get3A = arith.index_cast %add3A_170 : i32 to index
          %get3A_171 = arith.constant 0 : index
          %get3A_172 = tpu.vector_load %arg21[%get3A, %get3A_171] {strides = array<i32>} : memref<224x64xbf16, #tpu.memory_space<vmem>>, vector<32xbf16>,
          %unpack3A = tpu.unpack_subelements %get3A_172, 0 {pack_format = #tpu.pack_format<interleaved>} : vector<32xbf16> -> vector<16xf32>
          %unpack3A_173 = tpu.unpack_subelements %get3A_172, 1 {pack_format = #tpu.pack_format<interleaved>} : vector<32xbf16> -> vector<16xf32>
          %add3A_174 = arith.addf %scan3A_160, %unpack3A : vector<16xf32>
          %add3A_175 = arith.addf %scan3A_161, %unpack3A_173 : vector<16xf32>
          %get3A_176 = arith.index_cast %add3A_170 : i32 to index
          %get3A_177 = arith.constant 32 : index
          %get3A_178 = tpu.vector_load %arg21[%get3A_176, %get3A_177] {strides = array<i32>} : memref<224x64xbf16, #tpu.memory_space<vmem>>, vector<32xbf16>,
          %unpack3A_179 = tpu.unpack_subelements %get3A_178, 0 {pack_format = #tpu.pack_format<interleaved>} : vector<32xbf16> -> vector<16xf32>
          %unpack3A_180 = tpu.unpack_subelements %get3A_178, 1 {pack_format = #tpu.pack_format<interleaved>} : vector<32xbf16> -> vector<16xf32>
          %add3A_181 = arith.addf %scan3A_162, %unpack3A_179 : vector<16xf32>
          %add3A_182 = arith.addf %scan3A_163, %unpack3A_180 : vector<16xf32>
          %mul3A_183 = arith.constant 56 : i32
          %mul3A_184 = arith.muli %scan3A_122, %mul3A_183 : i32
          %mul3A_185 = arith.constant 8 : i32
          %mul3A_186 = arith.muli %mul3A_185, %scan3A_159 : i32
          %add3A_187 = arith.addi %mul3A_184, %mul3A_186 : i32
          %add3A_188 = arith.constant 1 : i32
          %add3A_189 = arith.addi %add3A_187, %add3A_188 : i32
          %get3A_190 = arith.index_cast %add3A_189 : i32 to index
          %get3A_191 = arith.constant 0 : index
          %get3A_192 = tpu.vector_load %arg21[%get3A_190, %get3A_191] {strides = array<i32>} : memref<224x64xbf16, #tpu.memory_space<vmem>>, vector<32xbf16>,
          %unpack3A_193 = tpu.unpack_subelements %get3A_192, 0 {pack_format = #tpu.pack_format<interleaved>} : vector<32xbf16> -> vector<16xf32>
          %unpack3A_194 = tpu.unpack_subelements %get3A_192, 1 {pack_format = #tpu.pack_format<interleaved>} : vector<32xbf16> -> vector<16xf32>
          %add3A_195 = arith.addf %add3A_174, %unpack3A_193 : vector<16xf32>
          %add3A_196 = arith.addf %add3A_175, %unpack3A_194 : vector<16xf32>
          %get3A_197 = arith.index_cast %add3A_189 : i32 to index
          %get3A_198 = arith.constant 32 : index
          %get3A_199 = tpu.vector_load %arg21[%get3A_197, %get3A_198] {strides = array<i32>} : memref<224x64xbf16, #tpu.memory_space<vmem>>, vector<32xbf16>,
          %unpack3A_200 = tpu.unpack_subelements %get3A_199, 0 {pack_format = #tpu.pack_format<interleaved>} : vector<32xbf16> -> vector<16xf32>
          %unpack3A_201 = tpu.unpack_subelements %get3A_199, 1 {pack_format = #tpu.pack_format<interleaved>} : vector<32xbf16> -> vector<16xf32>
          %add3A_202 = arith.addf %add3A_181, %unpack3A_200 : vector<16xf32>
          %add3A_203 = arith.addf %add3A_182, %unpack3A_201 : vector<16xf32>
          %mul3A_204 = arith.constant 56 : i32
          %mul3A_205 = arith.muli %scan3A_122, %mul3A_204 : i32
          %mul3A_206 = arith.constant 8 : i32
          %mul3A_207 = arith.muli %mul3A_206, %scan3A_159 : i32
          %add3A_208 = arith.addi %mul3A_205, %mul3A_207 : i32
          %add3A_209 = arith.constant 2 : i32
          %add3A_210 = arith.addi %add3A_208, %add3A_209 : i32
          %get3A_211 = arith.index_cast %add3A_210 : i32 to index
          %get3A_212 = arith.constant 0 : index
          %get3A_213 = tpu.vector_load %arg21[%get3A_211, %get3A_212] {strides = array<i32>} : memref<224x64xbf16, #tpu.memory_space<vmem>>, vector<32xbf16>,
          %unpack3A_214 = tpu.unpack_subelements %get3A_213, 0 {pack_format = #tpu.pack_format<interleaved>} : vector<32xbf16> -> vector<16xf32>
          %unpack3A_215 = tpu.unpack_subelements %get3A_213, 1 {pack_format = #tpu.pack_format<interleaved>} : vector<32xbf16> -> vector<16xf32>
          %add3A_216 = arith.addf %add3A_195, %unpack3A_214 : vector<16xf32>
          %add3A_217 = arith.addf %add3A_196, %unpack3A_215 : vector<16xf32>
          %get3A_218 = arith.index_cast %add3A_210 : i32 to index
          %get3A_219 = arith.constant 32 : index
          %get3A_220 = tpu.vector_load %arg21[%get3A_218, %get3A_219] {strides = array<i32>} : memref<224x64xbf16, #tpu.memory_space<vmem>>, vector<32xbf16>,
          %unpack3A_221 = tpu.unpack_subelements %get3A_220, 0 {pack_format = #tpu.pack_format<interleaved>} : vector<32xbf16> -> vector<16xf32>
          %unpack3A_222 = tpu.unpack_subelements %get3A_220, 1 {pack_format = #tpu.pack_format<interleaved>} : vector<32xbf16> -> vector<16xf32>
          %add3A_223 = arith.addf %add3A_202, %unpack3A_221 : vector<16xf32>
          %add3A_224 = arith.addf %add3A_203, %unpack3A_222 : vector<16xf32>
          %mul3A_225 = arith.constant 56 : i32
          %mul3A_226 = arith.muli %scan3A_122, %mul3A_225 : i32
          %mul3A_227 = arith.constant 8 : i32
          %mul3A_228 = arith.muli %mul3A_227, %scan3A_159 : i32
          %add3A_229 = arith.addi %mul3A_226, %mul3A_228 : i32
          %add3A_230 = arith.constant 3 : i32
          %add3A_231 = arith.addi %add3A_229, %add3A_230 : i32
          %get3A_232 = arith.index_cast %add3A_231 : i32 to index
          %get3A_233 = arith.constant 0 : index
          %get3A_234 = tpu.vector_load %arg21[%get3A_232, %get3A_233] {strides = array<i32>} : memref<224x64xbf16, #tpu.memory_space<vmem>>, vector<32xbf16>,
          %unpack3A_235 = tpu.unpack_subelements %get3A_234, 0 {pack_format = #tpu.pack_format<interleaved>} : vector<32xbf16> -> vector<16xf32>
          %unpack3A_236 = tpu.unpack_subelements %get3A_234, 1 {pack_format = #tpu.pack_format<interleaved>} : vector<32xbf16> -> vector<16xf32>
          %add3A_237 = arith.addf %add3A_216, %unpack3A_235 : vector<16xf32>
          %add3A_238 = arith.addf %add3A_217, %unpack3A_236 : vector<16xf32>
          %get3A_239 = arith.index_cast %add3A_231 : i32 to index
          %get3A_240 = arith.constant 32 : index
          %get3A_241 = tpu.vector_load %arg21[%get3A_239, %get3A_240] {strides = array<i32>} : memref<224x64xbf16, #tpu.memory_space<vmem>>, vector<32xbf16>,
          %unpack3A_242 = tpu.unpack_subelements %get3A_241, 0 {pack_format = #tpu.pack_format<interleaved>} : vector<32xbf16> -> vector<16xf32>
          %unpack3A_243 = tpu.unpack_subelements %get3A_241, 1 {pack_format = #tpu.pack_format<interleaved>} : vector<32xbf16> -> vector<16xf32>
          %add3A_244 = arith.addf %add3A_223, %unpack3A_242 : vector<16xf32>
          %add3A_245 = arith.addf %add3A_224, %unpack3A_243 : vector<16xf32>
          %mul3A_246 = arith.constant 56 : i32
          %mul3A_247 = arith.muli %scan3A_122, %mul3A_246 : i32
          %mul3A_248 = arith.constant 8 : i32
          %mul3A_249 = arith.muli %mul3A_248, %scan3A_159 : i32
          %add3A_250 = arith.addi %mul3A_247, %mul3A_249 : i32
          %add3A_251 = arith.constant 4 : i32
          %add3A_252 = arith.addi %add3A_250, %add3A_251 : i32
          %get3A_253 = arith.index_cast %add3A_252 : i32 to index
          %get3A_254 = arith.constant 0 : index
          %get3A_255 = tpu.vector_load %arg21[%get3A_253, %get3A_254] {strides = array<i32>} : memref<224x64xbf16, #tpu.memory_space<vmem>>, vector<32xbf16>,
          %unpack3A_256 = tpu.unpack_subelements %get3A_255, 0 {pack_format = #tpu.pack_format<interleaved>} : vector<32xbf16> -> vector<16xf32>
          %unpack3A_257 = tpu.unpack_subelements %get3A_255, 1 {pack_format = #tpu.pack_format<interleaved>} : vector<32xbf16> -> vector<16xf32>
          %add3A_258 = arith.addf %add3A_237, %unpack3A_256 : vector<16xf32>
          %add3A_259 = arith.addf %add3A_238, %unpack3A_257 : vector<16xf32>
          %get3A_260 = arith.index_cast %add3A_252 : i32 to index
          %get3A_261 = arith.constant 32 : index
          %get3A_262 = tpu.vector_load %arg21[%get3A_260, %get3A_261] {strides = array<i32>} : memref<224x64xbf16, #tpu.memory_space<vmem>>, vector<32xbf16>,
          %unpack3A_263 = tpu.unpack_subelements %get3A_262, 0 {pack_format = #tpu.pack_format<interleaved>} : vector<32xbf16> -> vector<16xf32>
          %unpack3A_264 = tpu.unpack_subelements %get3A_262, 1 {pack_format = #tpu.pack_format<interleaved>} : vector<32xbf16> -> vector<16xf32>
          %add3A_265 = arith.addf %add3A_244, %unpack3A_263 : vector<16xf32>
          %add3A_266 = arith.addf %add3A_245, %unpack3A_264 : vector<16xf32>
          %mul3A_267 = arith.constant 56 : i32
          %mul3A_268 = arith.muli %scan3A_122, %mul3A_267 : i32
          %mul3A_269 = arith.constant 8 : i32
          %mul3A_270 = arith.muli %mul3A_269, %scan3A_159 : i32
          %add3A_271 = arith.addi %mul3A_268, %mul3A_270 : i32
          %add3A_272 = arith.constant 5 : i32
          %add3A_273 = arith.addi %add3A_271, %add3A_272 : i32
          %get3A_274 = arith.index_cast %add3A_273 : i32 to index
          %get3A_275 = arith.constant 0 : index
          %get3A_276 = tpu.vector_load %arg21[%get3A_274, %get3A_275] {strides = array<i32>} : memref<224x64xbf16, #tpu.memory_space<vmem>>, vector<32xbf16>,
          %unpack3A_277 = tpu.unpack_subelements %get3A_276, 0 {pack_format = #tpu.pack_format<interleaved>} : vector<32xbf16> -> vector<16xf32>
          %unpack3A_278 = tpu.unpack_subelements %get3A_276, 1 {pack_format = #tpu.pack_format<interleaved>} : vector<32xbf16> -> vector<16xf32>
          %add3A_279 = arith.addf %add3A_258, %unpack3A_277 : vector<16xf32>
          %add3A_280 = arith.addf %add3A_259, %unpack3A_278 : vector<16xf32>
          %get3A_281 = arith.index_cast %add3A_273 : i32 to index
          %get3A_282 = arith.constant 32 : index
          %get3A_283 = tpu.vector_load %arg21[%get3A_281, %get3A_282] {strides = array<i32>} : memref<224x64xbf16, #tpu.memory_space<vmem>>, vector<32xbf16>,
          %unpack3A_284 = tpu.unpack_subelements %get3A_283, 0 {pack_format = #tpu.pack_format<interleaved>} : vector<32xbf16> -> vector<16xf32>
          %unpack3A_285 = tpu.unpack_subelements %get3A_283, 1 {pack_format = #tpu.pack_format<interleaved>} : vector<32xbf16> -> vector<16xf32>
          %add3A_286 = arith.addf %add3A_265, %unpack3A_284 : vector<16xf32>
          %add3A_287 = arith.addf %add3A_266, %unpack3A_285 : vector<16xf32>
          %mul3A_288 = arith.constant 56 : i32
          %mul3A_289 = arith.muli %scan3A_122, %mul3A_288 : i32
          %mul3A_290 = arith.constant 8 : i32
          %mul3A_291 = arith.muli %mul3A_290, %scan3A_159 : i32
          %add3A_292 = arith.addi %mul3A_289, %mul3A_291 : i32
          %add3A_293 = arith.constant 6 : i32
          %add3A_294 = arith.addi %add3A_292, %add3A_293 : i32
          %get3A_295 = arith.index_cast %add3A_294 : i32 to index
          %get3A_296 = arith.constant 0 : index
          %get3A_297 = tpu.vector_load %arg21[%get3A_295, %get3A_296] {strides = array<i32>} : memref<224x64xbf16, #tpu.memory_space<vmem>>, vector<32xbf16>,
          %unpack3A_298 = tpu.unpack_subelements %get3A_297, 0 {pack_format = #tpu.pack_format<interleaved>} : vector<32xbf16> -> vector<16xf32>
          %unpack3A_299 = tpu.unpack_subelements %get3A_297, 1 {pack_format = #tpu.pack_format<interleaved>} : vector<32xbf16> -> vector<16xf32>
          %add3A_300 = arith.addf %add3A_279, %unpack3A_298 : vector<16xf32>
          %add3A_301 = arith.addf %add3A_280, %unpack3A_299 : vector<16xf32>
          %get3A_302 = arith.index_cast %add3A_294 : i32 to index
          %get3A_303 = arith.constant 32 : index
          %get3A_304 = tpu.vector_load %arg21[%get3A_302, %get3A_303] {strides = array<i32>} : memref<224x64xbf16, #tpu.memory_space<vmem>>, vector<32xbf16>,
          %unpack3A_305 = tpu.unpack_subelements %get3A_304, 0 {pack_format = #tpu.pack_format<interleaved>} : vector<32xbf16> -> vector<16xf32>
          %unpack3A_306 = tpu.unpack_subelements %get3A_304, 1 {pack_format = #tpu.pack_format<interleaved>} : vector<32xbf16> -> vector<16xf32>
          %add3A_307 = arith.addf %add3A_286, %unpack3A_305 : vector<16xf32>
          %add3A_308 = arith.addf %add3A_287, %unpack3A_306 : vector<16xf32>
          %mul3A_309 = arith.constant 56 : i32
          %mul3A_310 = arith.muli %scan3A_122, %mul3A_309 : i32
          %mul3A_311 = arith.constant 8 : i32
          %mul3A_312 = arith.muli %mul3A_311, %scan3A_159 : i32
          %add3A_313 = arith.addi %mul3A_310, %mul3A_312 : i32
          %add3A_314 = arith.constant 7 : i32
          %add3A_315 = arith.addi %add3A_313, %add3A_314 : i32
          %get3A_316 = arith.index_cast %add3A_315 : i32 to index
          %get3A_317 = arith.constant 0 : index
          %get3A_318 = tpu.vector_load %arg21[%get3A_316, %get3A_317] {strides = array<i32>} : memref<224x64xbf16, #tpu.memory_space<vmem>>, vector<32xbf16>,
          %unpack3A_319 = tpu.unpack_subelements %get3A_318, 0 {pack_format = #tpu.pack_format<interleaved>} : vector<32xbf16> -> vector<16xf32>
          %unpack3A_320 = tpu.unpack_subelements %get3A_318, 1 {pack_format = #tpu.pack_format<interleaved>} : vector<32xbf16> -> vector<16xf32>
          %add3A_321 = arith.addf %add3A_300, %unpack3A_319 : vector<16xf32>
          %add3A_322 = arith.addf %add3A_301, %unpack3A_320 : vector<16xf32>
          %get3A_323 = arith.index_cast %add3A_315 : i32 to index
          %get3A_324 = arith.constant 32 : index
          %get3A_325 = tpu.vector_load %arg21[%get3A_323, %get3A_324] {strides = array<i32>} : memref<224x64xbf16, #tpu.memory_space<vmem>>, vector<32xbf16>,
          %unpack3A_326 = tpu.unpack_subelements %get3A_325, 0 {pack_format = #tpu.pack_format<interleaved>} : vector<32xbf16> -> vector<16xf32>
          %unpack3A_327 = tpu.unpack_subelements %get3A_325, 1 {pack_format = #tpu.pack_format<interleaved>} : vector<32xbf16> -> vector<16xf32>
          %add3A_328 = arith.addf %add3A_307, %unpack3A_326 : vector<16xf32>
          %add3A_329 = arith.addf %add3A_308, %unpack3A_327 : vector<16xf32>
          scf.yield %add3A_321, %add3A_322, %add3A_328, %add3A_329 : vector<16xf32>, vector<16xf32>, vector<16xf32>, vector<16xf32>
        }
        %scan3A_135 = arith.constant 7 : i32
        %mul3A_136 = arith.constant 4 : i32
        %mul3A_137 = arith.muli %add3A_103, %mul3A_136 : i32
        %add3A_138 = arith.addi %mul3A_137, %scan3A_122 : i32
        %swap3A = arith.index_cast %add3A_138 : i32 to index
        %swap3A_139 = arith.constant 0 : index
        %swap3A_140 = tpu.vector_load %arg23[%swap3A, %swap3A_139] {strides = array<i32>} : memref<128x64xf32, #tpu.memory_space<vmem>>, vector<16xf32>,
        tpu.vector_store %arg23[%swap3A, %swap3A_139], %scan3A_134#0 {strides = array<i32>} : memref<128x64xf32, #tpu.memory_space<vmem>>, vector<16xf32>,
        %mul3A_141 = arith.constant 4 : i32
        %mul3A_142 = arith.muli %add3A_103, %mul3A_141 : i32
        %add3A_143 = arith.addi %mul3A_142, %scan3A_122 : i32
        %swap3A_144 = arith.index_cast %add3A_143 : i32 to index
        %swap3A_145 = arith.constant 16 : index
        %swap3A_146 = tpu.vector_load %arg23[%swap3A_144, %swap3A_145] {strides = array<i32>} : memref<128x64xf32, #tpu.memory_space<vmem>>, vector<16xf32>,
        tpu.vector_store %arg23[%swap3A_144, %swap3A_145], %scan3A_134#1 {strides = array<i32>} : memref<128x64xf32, #tpu.memory_space<vmem>>, vector<16xf32>,
        %mul3A_147 = arith.constant 4 : i32
        %mul3A_148 = arith.muli %add3A_103, %mul3A_147 : i32
        %add3A_149 = arith.addi %mul3A_148, %scan3A_122 : i32
        %swap3A_150 = arith.index_cast %add3A_149 : i32 to index
        %swap3A_151 = arith.constant 32 : index
        %swap3A_152 = tpu.vector_load %arg23[%swap3A_150, %swap3A_151] {strides = array<i32>} : memref<128x64xf32, #tpu.memory_space<vmem>>, vector<16xf32>,
        tpu.vector_store %arg23[%swap3A_150, %swap3A_151], %scan3A_134#2 {strides = array<i32>} : memref<128x64xf32, #tpu.memory_space<vmem>>, vector<16xf32>,
        %mul3A_153 = arith.constant 4 : i32
        %mul3A_154 = arith.muli %add3A_103, %mul3A_153 : i32
        %add3A_155 = arith.addi %mul3A_154, %scan3A_122 : i32
        %swap3A_156 = arith.index_cast %add3A_155 : i32 to index
        %swap3A_157 = arith.constant 48 : index
        %swap3A_158 = tpu.vector_load %arg23[%swap3A_156, %swap3A_157] {strides = array<i32>} : memref<128x64xf32, #tpu.memory_space<vmem>>, vector<16xf32>,
        tpu.vector_store %arg23[%swap3A_156, %swap3A_157], %scan3A_134#3 {strides = array<i32>} : memref<128x64xf32, #tpu.memory_space<vmem>>, vector<16xf32>,
      }
      %scan3A_114 = arith.constant 4 : i32
      %add3A_115 = arith.constant 2 : i32
      %add3A_116 = arith.addi %add3A_103, %add3A_115 : i32
      %lt3A_117 = arith.constant 32 : i32
      %lt3A_118 = arith.cmpi slt, %add3A_116, %lt3A_117 : i32
      %convert_element_type3A_119 = arith.extui %lt3A_118 : i1 to i32
      %cond3A_120 = arith.constant 0 : i32
      %cond3A_121 = arith.cmpi ne, %convert_element_type3A_119, %cond3A_120 : i32
      scf.if %cond3A_121 {
        %add3A_122 = arith.constant 2 : i32
        %add3A_123 = arith.addi %add3A_103, %add3A_122 : i32
        %mul3A_124 = arith.constant 224 : i32
        %mul3A_125 = arith.muli %add3A_123, %mul3A_124 : i32
        %dma_start3A_126 = tpu.memref_slice %arg17[%mul3A_125] : memref<7168xi32, #tpu.memory_space<vmem>> -> memref<224xi32, #tpu.memory_space<vmem>>
        %dma_start3A_127 = arith.constant 0 : i32
        %dma_start3A_128 = arith.constant 0 : i32
        %dma_start3A_129 = tpu.memref_slice %arg6[%dma_start3A_127, %dma_start3A_128] : memref<100000x64xbf16, #tpu.memory_space<hbm>> -> memref<100000x64xbf16, #tpu.memory_space<hbm>>
        tpu.enqueue_indirect_dma source(%dma_start3A_129 : memref<100000x64xbf16, #tpu.memory_space<hbm>>) target(%arg21 : memref<224x64xbf16, #tpu.memory_space<vmem>>) offsets(%dma_start3A_126 : memref<224xi32, #tpu.memory_space<vmem>>) semaphore(%arg29 : memref<!tpu.dma_semaphore, #tpu.memory_space<semaphore_mem>>)
      } else {
      }
    }
    %scan3A_36 = arith.constant 16 : i32
    "tpu.region"() ({
      %run_scoped3A = tpu.sem_alloc : memref<!tpu.dma_semaphore, #tpu.memory_space<semaphore_mem>>
      %dma_start3A_42 = arith.constant 0 : i32
      %dma_start3A_43 = tpu.memref_slice %arg10[%mul3A_2, %dma_start3A_42] : memref<4096x64xf32, #tpu.memory_space<hbm>> -> memref<128x64xf32, #tpu.memory_space<hbm>>
      %dma_start3A_44 = arith.constant 0 : i32
      %dma_start3A_45 = tpu.memref_slice %arg10[%mul3A_2, %dma_start3A_44] : memref<4096x64xf32, #tpu.memory_space<hbm>> -> memref<128x64xf32, #tpu.memory_space<hbm>>
      tpu.enqueue_dma source(%arg22 : memref<128x64xf32, #tpu.memory_space<vmem>>) target(%dma_start3A_45 : memref<128x64xf32, #tpu.memory_space<hbm>>) target_semaphore(%run_scoped3A : memref<!tpu.dma_semaphore, #tpu.memory_space<semaphore_mem>>)
      %dma_wait3A_46 = arith.constant 0 : i32
      %dma_wait3A_47 = tpu.memref_slice %arg10[%mul3A_2, %dma_wait3A_46] : memref<4096x64xf32, #tpu.memory_space<hbm>> -> memref<128x64xf32, #tpu.memory_space<hbm>>
      %dma_wait3A_48 = arith.constant 0 : i32
      %dma_wait3A_49 = tpu.memref_slice %arg10[%mul3A_2, %dma_wait3A_48] : memref<4096x64xf32, #tpu.memory_space<hbm>> -> memref<128x64xf32, #tpu.memory_space<hbm>>
      tpu.wait_dma2 semaphore(%run_scoped3A : memref<!tpu.dma_semaphore, #tpu.memory_space<semaphore_mem>>) src(%arg22 : memref<128x64xf32, #tpu.memory_space<vmem>>) dst(%dma_wait3A_49 : memref<128x64xf32, #tpu.memory_space<hbm>>)
      tpu.yield
    }) : () -> ()
    "tpu.region"() ({
      %run_scoped3A = tpu.sem_alloc : memref<!tpu.dma_semaphore, #tpu.memory_space<semaphore_mem>>
      %dma_start3A_42 = arith.constant 0 : i32
      %dma_start3A_43 = tpu.memref_slice %arg11[%mul3A_2, %dma_start3A_42] : memref<4096x64xf32, #tpu.memory_space<hbm>> -> memref<128x64xf32, #tpu.memory_space<hbm>>
      %dma_start3A_44 = arith.constant 0 : i32
      %dma_start3A_45 = tpu.memref_slice %arg11[%mul3A_2, %dma_start3A_44] : memref<4096x64xf32, #tpu.memory_space<hbm>> -> memref<128x64xf32, #tpu.memory_space<hbm>>
      tpu.enqueue_dma source(%arg23 : memref<128x64xf32, #tpu.memory_space<vmem>>) target(%dma_start3A_45 : memref<128x64xf32, #tpu.memory_space<hbm>>) target_semaphore(%run_scoped3A : memref<!tpu.dma_semaphore, #tpu.memory_space<semaphore_mem>>)
      %dma_wait3A_46 = arith.constant 0 : i32
      %dma_wait3A_47 = tpu.memref_slice %arg11[%mul3A_2, %dma_wait3A_46] : memref<4096x64xf32, #tpu.memory_space<hbm>> -> memref<128x64xf32, #tpu.memory_space<hbm>>
      %dma_wait3A_48 = arith.constant 0 : i32
      %dma_wait3A_49 = tpu.memref_slice %arg11[%mul3A_2, %dma_wait3A_48] : memref<4096x64xf32, #tpu.memory_space<hbm>> -> memref<128x64xf32, #tpu.memory_space<hbm>>
      tpu.wait_dma2 semaphore(%run_scoped3A : memref<!tpu.dma_semaphore, #tpu.memory_space<semaphore_mem>>) src(%arg23 : memref<128x64xf32, #tpu.memory_space<vmem>>) dst(%dma_wait3A_49 : memref<128x64xf32, #tpu.memory_space<hbm>>)
      tpu.yield
    }) : () -> ()
    %dma_wait3A = arith.constant 0 : i32
    %dma_wait3A_37 = arith.constant 0 : i32
    %dma_wait3A_38 = tpu.memref_slice %arg6[%dma_wait3A, %dma_wait3A_37] : memref<100000x64xbf16, #tpu.memory_space<hbm>> -> memref<100000x64xbf16, #tpu.memory_space<hbm>>
    tpu.wait_indirect_dma semaphore(%arg24 : memref<!tpu.dma_semaphore, #tpu.memory_space<semaphore_mem>>) src(%dma_wait3A_38 : memref<100000x64xbf16, #tpu.memory_space<hbm>>) dst(%arg14 : memref<128x64xbf16, #tpu.memory_space<vmem>>)
    %dma_wait3A_39 = arith.constant 0 : i32
    %dma_wait3A_40 = arith.constant 0 : i32
    %dma_wait3A_41 = tpu.memref_slice %arg7[%dma_wait3A_39, %dma_wait3A_40] : memref<100000x64xbf16, #tpu.memory_space<hbm>> -> memref<100000x64xbf16, #tpu.memory_space<hbm>>
    tpu.wait_indirect_dma semaphore(%arg25 : memref<!tpu.dma_semaphore, #tpu.memory_space<semaphore_mem>>) src(%dma_wait3A_41 : memref<100000x64xbf16, #tpu.memory_space<hbm>>) dst(%arg15 : memref<128x64xbf16, #tpu.memory_space<vmem>>)
    "tpu.region"() ({
      %run_scoped3A = tpu.sem_alloc : memref<!tpu.dma_semaphore, #tpu.memory_space<semaphore_mem>>
      %dma_start3A_42 = arith.constant 0 : i32
      %dma_start3A_43 = tpu.memref_slice %arg8[%mul3A_2, %dma_start3A_42] : memref<4096x64xbf16, #tpu.memory_space<hbm>> -> memref<128x64xbf16, #tpu.memory_space<hbm>>
      %dma_start3A_44 = arith.constant 0 : i32
      %dma_start3A_45 = tpu.memref_slice %arg8[%mul3A_2, %dma_start3A_44] : memref<4096x64xbf16, #tpu.memory_space<hbm>> -> memref<128x64xbf16, #tpu.memory_space<hbm>>
      tpu.enqueue_dma source(%arg14 : memref<128x64xbf16, #tpu.memory_space<vmem>>) target(%dma_start3A_45 : memref<128x64xbf16, #tpu.memory_space<hbm>>) target_semaphore(%run_scoped3A : memref<!tpu.dma_semaphore, #tpu.memory_space<semaphore_mem>>)
      %dma_wait3A_46 = arith.constant 0 : i32
      %dma_wait3A_47 = tpu.memref_slice %arg8[%mul3A_2, %dma_wait3A_46] : memref<4096x64xbf16, #tpu.memory_space<hbm>> -> memref<128x64xbf16, #tpu.memory_space<hbm>>
      %dma_wait3A_48 = arith.constant 0 : i32
      %dma_wait3A_49 = tpu.memref_slice %arg8[%mul3A_2, %dma_wait3A_48] : memref<4096x64xbf16, #tpu.memory_space<hbm>> -> memref<128x64xbf16, #tpu.memory_space<hbm>>
      tpu.wait_dma2 semaphore(%run_scoped3A : memref<!tpu.dma_semaphore, #tpu.memory_space<semaphore_mem>>) src(%arg14 : memref<128x64xbf16, #tpu.memory_space<vmem>>) dst(%dma_wait3A_49 : memref<128x64xbf16, #tpu.memory_space<hbm>>)
      tpu.yield
    }) : () -> ()
    "tpu.region"() ({
      %run_scoped3A = tpu.sem_alloc : memref<!tpu.dma_semaphore, #tpu.memory_space<semaphore_mem>>
      %dma_start3A_42 = arith.constant 0 : i32
      %dma_start3A_43 = tpu.memref_slice %arg9[%mul3A_2, %dma_start3A_42] : memref<4096x64xbf16, #tpu.memory_space<hbm>> -> memref<128x64xbf16, #tpu.memory_space<hbm>>
      %dma_start3A_44 = arith.constant 0 : i32
      %dma_start3A_45 = tpu.memref_slice %arg9[%mul3A_2, %dma_start3A_44] : memref<4096x64xbf16, #tpu.memory_space<hbm>> -> memref<128x64xbf16, #tpu.memory_space<hbm>>
      tpu.enqueue_dma source(%arg15 : memref<128x64xbf16, #tpu.memory_space<vmem>>) target(%dma_start3A_45 : memref<128x64xbf16, #tpu.memory_space<hbm>>) target_semaphore(%run_scoped3A : memref<!tpu.dma_semaphore, #tpu.memory_space<semaphore_mem>>)
      %dma_wait3A_46 = arith.constant 0 : i32
      %dma_wait3A_47 = tpu.memref_slice %arg9[%mul3A_2, %dma_wait3A_46] : memref<4096x64xbf16, #tpu.memory_space<hbm>> -> memref<128x64xbf16, #tpu.memory_space<hbm>>
      %dma_wait3A_48 = arith.constant 0 : i32
      %dma_wait3A_49 = tpu.memref_slice %arg9[%mul3A_2, %dma_wait3A_48] : memref<4096x64xbf16, #tpu.memory_space<hbm>> -> memref<128x64xbf16, #tpu.memory_space<hbm>>
      tpu.wait_dma2 semaphore(%run_scoped3A : memref<!tpu.dma_semaphore, #tpu.memory_space<semaphore_mem>>) src(%arg15 : memref<128x64xbf16, #tpu.memory_space<vmem>>) dst(%dma_wait3A_49 : memref<128x64xbf16, #tpu.memory_space<hbm>>)
      tpu.yield
    }) : () -> ()
    return
  }
}

module attributes {stable_mosaic.version = 14 : i64} {
  func.func @body(%arg0: memref<4096x101xi32, #tpu.memory_space<vmem>>, %arg1: memref<4096x101xi32, #tpu.memory_space<vmem>>, %arg2: memref<4096x101xi32, #tpu.memory_space<vmem>>, %arg3: memref<4096x101xi32, #tpu.memory_space<vmem>>, %arg4: memref<4096x64xbf16, #tpu.memory_space<vmem>>, %arg5: memref<4096x64xbf16, #tpu.memory_space<vmem>>, %arg6: memref<4096x64xf32, #tpu.memory_space<vmem>>, %arg7: memref<4096x64xf32, #tpu.memory_space<vmem>>, %arg8: memref<4096x56xi32, #tpu.memory_space<vmem>>, %arg9: memref<4096x56xi32, #tpu.memory_space<vmem>>, %arg10: memref<1x64xf32, #tpu.memory_space<vmem>>, %arg11: memref<1x64xf32, #tpu.memory_space<vmem>>, %arg12: memref<101x64xf32, #tpu.memory_space<vmem>>, %arg13: memref<101x64xf32, #tpu.memory_space<vmem>>, %arg14: memref<64x128xf32, #tpu.memory_space<vmem>>, %arg15: memref<64x128xf32, #tpu.memory_space<vmem>>, %arg16: memref<64x128xf32, #tpu.memory_space<vmem>>, %arg17: memref<64x128xf32, #tpu.memory_space<vmem>>, %arg18: memref<896x200xf32, #tpu.memory_space<vmem>>, %arg19: memref<1x200xf32, #tpu.memory_space<vmem>>, %arg20: memref<1x1xf32, #tpu.memory_space<vmem>>, %arg21: memref<200x80xf32, #tpu.memory_space<vmem>>, %arg22: memref<1x80xf32, #tpu.memory_space<vmem>>, %arg23: memref<1x1xf32, #tpu.memory_space<vmem>>, %arg24: memref<1x80xf32, #tpu.memory_space<vmem>>, %arg25: memref<1x1xf32, #tpu.memory_space<vmem>>, %arg26: memref<4096x1xf32, #tpu.memory_space<vmem>>) attributes {dimension_semantics = [], scalar_prefetch = 0 : i64, scratch_operands = 0 : i64, tpu.core_type = #tpu.core_type<tc>} {
    %get3A = arith.constant 0 : index
    %get3A_0 = arith.constant 0 : index
    %get3A_1 = vector.load %arg8[%get3A, %get3A_0] : memref<4096x56xi32, #tpu.memory_space<vmem>>, vector<4096x56xi32>
    %eq3A = arith.constant 0 : i32
    %eq3A_2 = vector.broadcast %eq3A : i32 to vector<4096x56xi32>
    %eq3A_3 = arith.cmpi eq, %get3A_1, %eq3A_2 : vector<4096x56xi32>
    %jit3A = arith.constant 1.000000e+00 : f32
    %jit3A_4 = arith.constant 0.000000e+00 : f32
    %broadcast_in_dim3A = vector.broadcast %jit3A : f32 to vector<4096x56xf32>
    %broadcast_in_dim3A_5 = vector.broadcast %jit3A_4 : f32 to vector<4096x56xf32>
    %select_n3A = arith.select %eq3A_3, %broadcast_in_dim3A, %broadcast_in_dim3A_5 : vector<4096x56xi1>, vector<4096x56xf32>
    %reduce_sum3A = arith.constant dense<0.000000e+00> : vector<4096xf32>
    %reduce_sum3A_6 = vector.multi_reduction <add>, %select_n3A, %reduce_sum3A [1] : vector<4096x56xf32> to vector<4096xf32>
    %broadcast_in_dim3A_7 = vector.shape_cast %reduce_sum3A_6 : vector<4096xf32> to vector<4096x1xf32>
    %get3A_8 = arith.constant 0 : index
    %get3A_9 = arith.constant 0 : index
    %get3A_10 = vector.load %arg9[%get3A_8, %get3A_9] : memref<4096x56xi32, #tpu.memory_space<vmem>>, vector<4096x56xi32>
    %eq3A_11 = arith.constant 0 : i32
    %eq3A_12 = vector.broadcast %eq3A_11 : i32 to vector<4096x56xi32>
    %eq3A_13 = arith.cmpi eq, %get3A_10, %eq3A_12 : vector<4096x56xi32>
    %jit3A_14 = arith.constant 1.000000e+00 : f32
    %jit3A_15 = arith.constant 0.000000e+00 : f32
    %broadcast_in_dim3A_16 = vector.broadcast %jit3A_14 : f32 to vector<4096x56xf32>
    %broadcast_in_dim3A_17 = vector.broadcast %jit3A_15 : f32 to vector<4096x56xf32>
    %select_n3A_18 = arith.select %eq3A_13, %broadcast_in_dim3A_16, %broadcast_in_dim3A_17 : vector<4096x56xi1>, vector<4096x56xf32>
    %reduce_sum3A_19 = arith.constant dense<0.000000e+00> : vector<4096xf32>
    %reduce_sum3A_20 = vector.multi_reduction <add>, %select_n3A_18, %reduce_sum3A_19 [1] : vector<4096x56xf32> to vector<4096xf32>
    %broadcast_in_dim3A_21 = vector.shape_cast %reduce_sum3A_20 : vector<4096xf32> to vector<4096x1xf32>
    %get3A_22 = arith.constant 0 : index
    %get3A_23 = arith.constant 0 : index
    %get3A_24 = vector.load %arg6[%get3A_22, %get3A_23] : memref<4096x64xf32, #tpu.memory_space<vmem>>, vector<4096x64xf32>
    %get3A_25 = arith.constant 0 : index
    %get3A_26 = arith.constant 0 : index
    %get3A_27 = vector.load %arg10[%get3A_25, %get3A_26] : memref<1x64xf32, #tpu.memory_space<vmem>>, vector<1x64xf32>
    %mul3A = vector.broadcast %broadcast_in_dim3A_7 : vector<4096x1xf32> to vector<4096x64xf32>
    %mul3A_28 = vector.broadcast %get3A_27 : vector<1x64xf32> to vector<4096x64xf32>
    %mul3A_29 = arith.mulf %mul3A, %mul3A_28 : vector<4096x64xf32>
    %sub3A = arith.subf %get3A_24, %mul3A_29 : vector<4096x64xf32>
    %get3A_30 = arith.constant 0 : index
    %get3A_31 = arith.constant 0 : index
    %get3A_32 = vector.load %arg7[%get3A_30, %get3A_31] : memref<4096x64xf32, #tpu.memory_space<vmem>>, vector<4096x64xf32>
    %get3A_33 = arith.constant 0 : index
    %get3A_34 = arith.constant 0 : index
    %get3A_35 = vector.load %arg11[%get3A_33, %get3A_34] : memref<1x64xf32, #tpu.memory_space<vmem>>, vector<1x64xf32>
    %mul3A_36 = vector.broadcast %broadcast_in_dim3A_21 : vector<4096x1xf32> to vector<4096x64xf32>
    %mul3A_37 = vector.broadcast %get3A_35 : vector<1x64xf32> to vector<4096x64xf32>
    %mul3A_38 = arith.mulf %mul3A_36, %mul3A_37 : vector<4096x64xf32>
    %sub3A_39 = arith.subf %get3A_32, %mul3A_38 : vector<4096x64xf32>
    %get3A_40 = arith.constant 0 : index
    %get3A_41 = arith.constant 0 : index
    %get3A_42 = vector.load %arg13[%get3A_40, %get3A_41] : memref<101x64xf32, #tpu.memory_space<vmem>>, vector<101x64xf32>
    %get3A_43 = arith.constant 0 : index
    %get3A_44 = arith.constant 0 : index
    %get3A_45 = vector.load %arg15[%get3A_43, %get3A_44] : memref<64x128xf32, #tpu.memory_space<vmem>>, vector<64x128xf32>
    %dot_general3A = arith.constant dense<0.000000e+00> : vector<101x128xf32>
    %dot_general3A_46 = tpu.matmul %get3A_42, %get3A_45, %dot_general3A {dimension_numbers = #tpu.dot_dimension_numbers<[1], [0], [0], [1], [0, 0, 1, 1], [], []>, transpose_lhs_hint = false} : vector<101x64xf32>, vector<64x128xf32>, vector<101x128xf32> -> vector<101x128xf32>
    %get3A_47 = arith.constant 0 : index
    %get3A_48 = arith.constant 0 : index
    %get3A_49 = vector.load %arg12[%get3A_47, %get3A_48] : memref<101x64xf32, #tpu.memory_space<vmem>>, vector<101x64xf32>
    %get3A_50 = arith.constant 0 : index
    %get3A_51 = arith.constant 0 : index
    %get3A_52 = vector.load %arg14[%get3A_50, %get3A_51] : memref<64x128xf32, #tpu.memory_space<vmem>>, vector<64x128xf32>
    %dot_general3A_53 = arith.constant dense<0.000000e+00> : vector<101x128xf32>
    %dot_general3A_54 = tpu.matmul %get3A_49, %get3A_52, %dot_general3A_53 {dimension_numbers = #tpu.dot_dimension_numbers<[1], [0], [0], [1], [0, 0, 1, 1], [], []>, transpose_lhs_hint = false} : vector<101x64xf32>, vector<64x128xf32>, vector<101x128xf32> -> vector<101x128xf32>
    %get3A_55 = arith.constant 0 : index
    %get3A_56 = arith.constant 0 : index
    %get3A_57 = vector.load %arg18[%get3A_55, %get3A_56] : memref<896x200xf32, #tpu.memory_space<vmem>>, vector<896x200xf32>
    %get3A_58 = arith.constant 0 : index
    %get3A_59 = arith.constant 0 : index
    %get3A_60 = vector.load %arg4[%get3A_58, %get3A_59] : memref<4096x64xbf16, #tpu.memory_space<vmem>>, vector<4096x64xbf16>
    %convert_element_type3A = arith.extf %get3A_60 : vector<4096x64xbf16> to vector<4096x64xf32>
    %slice3A = vector.extract_strided_slice %get3A_57 {offsets = [0, 0], sizes = [64, 200], strides = [1, 1]} : vector<896x200xf32> to vector<64x200xf32>
    %dot_general3A_61 = arith.constant dense<0.000000e+00> : vector<4096x200xf32>
    %dot_general3A_62 = tpu.matmul %convert_element_type3A, %slice3A, %dot_general3A_61 {dimension_numbers = #tpu.dot_dimension_numbers<[1], [0], [0], [1], [0, 0, 1, 1], [], []>, transpose_lhs_hint = false} : vector<4096x64xf32>, vector<64x200xf32>, vector<4096x200xf32> -> vector<4096x200xf32>
    %get3A_63 = arith.constant 0 : index
    %get3A_64 = arith.constant 0 : index
    %get3A_65 = vector.load %arg0[%get3A_63, %get3A_64] : memref<4096x101xi32, #tpu.memory_space<vmem>>, vector<4096x101xi32>
    %convert_element_type3A_66 = arith.sitofp %get3A_65 : vector<4096x101xi32> to vector<4096x101xf32>
    %add3A = arith.constant 1.000000e+00 : f32
    %add3A_67 = vector.broadcast %add3A : f32 to vector<4096x101xf32>
    %add3A_68 = arith.addf %convert_element_type3A_66, %add3A_67 : vector<4096x101xf32>
    %log3A = math.log %add3A_68 : vector<4096x101xf32>
    %mul3A_69 = arith.constant 1.250000e+00 : f32
    %mul3A_70 = vector.broadcast %mul3A_69 : f32 to vector<4096x101xf32>
    %mul3A_71 = arith.mulf %log3A, %mul3A_70 : vector<4096x101xf32>
    %reduce_max3A = arith.constant dense<0xFF800000> : vector<4096xf32>
    %reduce_max3A_72 = vector.multi_reduction <maximumf>, %mul3A_71, %reduce_max3A [1] : vector<4096x101xf32> to vector<4096xf32>
    %broadcast_in_dim3A_73 = vector.shape_cast %reduce_max3A_72 : vector<4096xf32> to vector<4096x1xf32>
    %sub3A_74 = vector.broadcast %broadcast_in_dim3A_73 : vector<4096x1xf32> to vector<4096x101xf32>
    %sub3A_75 = arith.subf %mul3A_71, %sub3A_74 : vector<4096x101xf32>
    %exp3A = math.exp %sub3A_75 : vector<4096x101xf32>
    %reduce_sum3A_76 = arith.constant dense<0.000000e+00> : vector<4096xf32>
    %reduce_sum3A_77 = vector.multi_reduction <add>, %exp3A, %reduce_sum3A_76 [1] : vector<4096x101xf32> to vector<4096xf32>
    %broadcast_in_dim3A_78 = vector.shape_cast %reduce_sum3A_77 : vector<4096xf32> to vector<4096x1xf32>
    %div3A = vector.broadcast %broadcast_in_dim3A_78 : vector<4096x1xf32> to vector<4096x101xf32>
    %div3A_79 = arith.divf %exp3A, %div3A : vector<4096x101xf32>
    %slice3A_80 = vector.extract_strided_slice %get3A_57 {offsets = [64, 0], sizes = [128, 200], strides = [1, 1]} : vector<896x200xf32> to vector<128x200xf32>
    %dot_general3A_81 = arith.constant dense<0.000000e+00> : vector<101x200xf32>
    %dot_general3A_82 = tpu.matmul %dot_general3A_46, %slice3A_80, %dot_general3A_81 {dimension_numbers = #tpu.dot_dimension_numbers<[1], [0], [0], [1], [0, 0, 1, 1], [], []>, transpose_lhs_hint = false} : vector<101x128xf32>, vector<128x200xf32>, vector<101x200xf32> -> vector<101x200xf32>
    %dot_general3A_83 = arith.constant dense<0.000000e+00> : vector<4096x200xf32>
    %dot_general3A_84 = tpu.matmul %div3A_79, %dot_general3A_82, %dot_general3A_83 {dimension_numbers = #tpu.dot_dimension_numbers<[1], [0], [0], [1], [0, 0, 1, 1], [], []>, transpose_lhs_hint = false} : vector<4096x101xf32>, vector<101x200xf32>, vector<4096x200xf32> -> vector<4096x200xf32>
    %add3A_85 = arith.addf %dot_general3A_62, %dot_general3A_84 : vector<4096x200xf32>
    %get3A_86 = arith.constant 0 : index
    %get3A_87 = arith.constant 0 : index
    %get3A_88 = vector.load %arg1[%get3A_86, %get3A_87] : memref<4096x101xi32, #tpu.memory_space<vmem>>, vector<4096x101xi32>
    %convert_element_type3A_89 = arith.sitofp %get3A_88 : vector<4096x101xi32> to vector<4096x101xf32>
    %add3A_90 = arith.constant 1.000000e+00 : f32
    %add3A_91 = vector.broadcast %add3A_90 : f32 to vector<4096x101xf32>
    %add3A_92 = arith.addf %convert_element_type3A_89, %add3A_91 : vector<4096x101xf32>
    %log3A_93 = math.log %add3A_92 : vector<4096x101xf32>
    %mul3A_94 = arith.constant 1.250000e+00 : f32
    %mul3A_95 = vector.broadcast %mul3A_94 : f32 to vector<4096x101xf32>
    %mul3A_96 = arith.mulf %log3A_93, %mul3A_95 : vector<4096x101xf32>
    %reduce_max3A_97 = arith.constant dense<0xFF800000> : vector<4096xf32>
    %reduce_max3A_98 = vector.multi_reduction <maximumf>, %mul3A_96, %reduce_max3A_97 [1] : vector<4096x101xf32> to vector<4096xf32>
    %broadcast_in_dim3A_99 = vector.shape_cast %reduce_max3A_98 : vector<4096xf32> to vector<4096x1xf32>
    %sub3A_100 = vector.broadcast %broadcast_in_dim3A_99 : vector<4096x1xf32> to vector<4096x101xf32>
    %sub3A_101 = arith.subf %mul3A_96, %sub3A_100 : vector<4096x101xf32>
    %exp3A_102 = math.exp %sub3A_101 : vector<4096x101xf32>
    %reduce_sum3A_103 = arith.constant dense<0.000000e+00> : vector<4096xf32>
    %reduce_sum3A_104 = vector.multi_reduction <add>, %exp3A_102, %reduce_sum3A_103 [1] : vector<4096x101xf32> to vector<4096xf32>
    %broadcast_in_dim3A_105 = vector.shape_cast %reduce_sum3A_104 : vector<4096xf32> to vector<4096x1xf32>
    %div3A_106 = vector.broadcast %broadcast_in_dim3A_105 : vector<4096x1xf32> to vector<4096x101xf32>
    %div3A_107 = arith.divf %exp3A_102, %div3A_106 : vector<4096x101xf32>
    %slice3A_108 = vector.extract_strided_slice %get3A_57 {offsets = [192, 0], sizes = [128, 200], strides = [1, 1]} : vector<896x200xf32> to vector<128x200xf32>
    %dot_general3A_109 = arith.constant dense<0.000000e+00> : vector<101x200xf32>
    %dot_general3A_110 = tpu.matmul %dot_general3A_54, %slice3A_108, %dot_general3A_109 {dimension_numbers = #tpu.dot_dimension_numbers<[1], [0], [0], [1], [0, 0, 1, 1], [], []>, transpose_lhs_hint = false} : vector<101x128xf32>, vector<128x200xf32>, vector<101x200xf32> -> vector<101x200xf32>
    %dot_general3A_111 = arith.constant dense<0.000000e+00> : vector<4096x200xf32>
    %dot_general3A_112 = tpu.matmul %div3A_107, %dot_general3A_110, %dot_general3A_111 {dimension_numbers = #tpu.dot_dimension_numbers<[1], [0], [0], [1], [0, 0, 1, 1], [], []>, transpose_lhs_hint = false} : vector<4096x101xf32>, vector<101x200xf32>, vector<4096x200xf32> -> vector<4096x200xf32>
    %add3A_113 = arith.addf %add3A_85, %dot_general3A_112 : vector<4096x200xf32>
    %get3A_114 = arith.constant 0 : index
    %get3A_115 = arith.constant 0 : index
    %get3A_116 = vector.load %arg17[%get3A_114, %get3A_115] : memref<64x128xf32, #tpu.memory_space<vmem>>, vector<64x128xf32>
    %slice3A_117 = vector.extract_strided_slice %get3A_57 {offsets = [320, 0], sizes = [128, 200], strides = [1, 1]} : vector<896x200xf32> to vector<128x200xf32>
    %dot_general3A_118 = arith.constant dense<0.000000e+00> : vector<64x200xf32>
    %dot_general3A_119 = tpu.matmul %get3A_116, %slice3A_117, %dot_general3A_118 {dimension_numbers = #tpu.dot_dimension_numbers<[1], [0], [0], [1], [0, 0, 1, 1], [], []>, transpose_lhs_hint = false} : vector<64x128xf32>, vector<128x200xf32>, vector<64x200xf32> -> vector<64x200xf32>
    %dot_general3A_120 = arith.constant dense<0.000000e+00> : vector<4096x200xf32>
    %dot_general3A_121 = tpu.matmul %sub3A, %dot_general3A_119, %dot_general3A_120 {dimension_numbers = #tpu.dot_dimension_numbers<[1], [0], [0], [1], [0, 0, 1, 1], [], []>, transpose_lhs_hint = false} : vector<4096x64xf32>, vector<64x200xf32>, vector<4096x200xf32> -> vector<4096x200xf32>
    %add3A_122 = arith.addf %add3A_113, %dot_general3A_121 : vector<4096x200xf32>
    %get3A_123 = arith.constant 0 : index
    %get3A_124 = arith.constant 0 : index
    %get3A_125 = vector.load %arg5[%get3A_123, %get3A_124] : memref<4096x64xbf16, #tpu.memory_space<vmem>>, vector<4096x64xbf16>
    %convert_element_type3A_126 = arith.extf %get3A_125 : vector<4096x64xbf16> to vector<4096x64xf32>
    %slice3A_127 = vector.extract_strided_slice %get3A_57 {offsets = [448, 0], sizes = [64, 200], strides = [1, 1]} : vector<896x200xf32> to vector<64x200xf32>
    %dot_general3A_128 = arith.constant dense<0.000000e+00> : vector<4096x200xf32>
    %dot_general3A_129 = tpu.matmul %convert_element_type3A_126, %slice3A_127, %dot_general3A_128 {dimension_numbers = #tpu.dot_dimension_numbers<[1], [0], [0], [1], [0, 0, 1, 1], [], []>, transpose_lhs_hint = false} : vector<4096x64xf32>, vector<64x200xf32>, vector<4096x200xf32> -> vector<4096x200xf32>
    %add3A_130 = arith.addf %add3A_122, %dot_general3A_129 : vector<4096x200xf32>
    %get3A_131 = arith.constant 0 : index
    %get3A_132 = arith.constant 0 : index
    %get3A_133 = vector.load %arg2[%get3A_131, %get3A_132] : memref<4096x101xi32, #tpu.memory_space<vmem>>, vector<4096x101xi32>
    %convert_element_type3A_134 = arith.sitofp %get3A_133 : vector<4096x101xi32> to vector<4096x101xf32>
    %add3A_135 = arith.constant 1.000000e+00 : f32
    %add3A_136 = vector.broadcast %add3A_135 : f32 to vector<4096x101xf32>
    %add3A_137 = arith.addf %convert_element_type3A_134, %add3A_136 : vector<4096x101xf32>
    %log3A_138 = math.log %add3A_137 : vector<4096x101xf32>
    %mul3A_139 = arith.constant 1.250000e+00 : f32
    %mul3A_140 = vector.broadcast %mul3A_139 : f32 to vector<4096x101xf32>
    %mul3A_141 = arith.mulf %log3A_138, %mul3A_140 : vector<4096x101xf32>
    %reduce_max3A_142 = arith.constant dense<0xFF800000> : vector<4096xf32>
    %reduce_max3A_143 = vector.multi_reduction <maximumf>, %mul3A_141, %reduce_max3A_142 [1] : vector<4096x101xf32> to vector<4096xf32>
    %broadcast_in_dim3A_144 = vector.shape_cast %reduce_max3A_143 : vector<4096xf32> to vector<4096x1xf32>
    %sub3A_145 = vector.broadcast %broadcast_in_dim3A_144 : vector<4096x1xf32> to vector<4096x101xf32>
    %sub3A_146 = arith.subf %mul3A_141, %sub3A_145 : vector<4096x101xf32>
    %exp3A_147 = math.exp %sub3A_146 : vector<4096x101xf32>
    %reduce_sum3A_148 = arith.constant dense<0.000000e+00> : vector<4096xf32>
    %reduce_sum3A_149 = vector.multi_reduction <add>, %exp3A_147, %reduce_sum3A_148 [1] : vector<4096x101xf32> to vector<4096xf32>
    %broadcast_in_dim3A_150 = vector.shape_cast %reduce_sum3A_149 : vector<4096xf32> to vector<4096x1xf32>
    %div3A_151 = vector.broadcast %broadcast_in_dim3A_150 : vector<4096x1xf32> to vector<4096x101xf32>
    %div3A_152 = arith.divf %exp3A_147, %div3A_151 : vector<4096x101xf32>
    %slice3A_153 = vector.extract_strided_slice %get3A_57 {offsets = [512, 0], sizes = [128, 200], strides = [1, 1]} : vector<896x200xf32> to vector<128x200xf32>
    %dot_general3A_154 = arith.constant dense<0.000000e+00> : vector<101x200xf32>
    %dot_general3A_155 = tpu.matmul %dot_general3A_54, %slice3A_153, %dot_general3A_154 {dimension_numbers = #tpu.dot_dimension_numbers<[1], [0], [0], [1], [0, 0, 1, 1], [], []>, transpose_lhs_hint = false} : vector<101x128xf32>, vector<128x200xf32>, vector<101x200xf32> -> vector<101x200xf32>
    %dot_general3A_156 = arith.constant dense<0.000000e+00> : vector<4096x200xf32>
    %dot_general3A_157 = tpu.matmul %div3A_152, %dot_general3A_155, %dot_general3A_156 {dimension_numbers = #tpu.dot_dimension_numbers<[1], [0], [0], [1], [0, 0, 1, 1], [], []>, transpose_lhs_hint = false} : vector<4096x101xf32>, vector<101x200xf32>, vector<4096x200xf32> -> vector<4096x200xf32>
    %add3A_158 = arith.addf %add3A_130, %dot_general3A_157 : vector<4096x200xf32>
    %get3A_159 = arith.constant 0 : index
    %get3A_160 = arith.constant 0 : index
    %get3A_161 = vector.load %arg3[%get3A_159, %get3A_160] : memref<4096x101xi32, #tpu.memory_space<vmem>>, vector<4096x101xi32>
    %convert_element_type3A_162 = arith.sitofp %get3A_161 : vector<4096x101xi32> to vector<4096x101xf32>
    %add3A_163 = arith.constant 1.000000e+00 : f32
    %add3A_164 = vector.broadcast %add3A_163 : f32 to vector<4096x101xf32>
    %add3A_165 = arith.addf %convert_element_type3A_162, %add3A_164 : vector<4096x101xf32>
    %log3A_166 = math.log %add3A_165 : vector<4096x101xf32>
    %mul3A_167 = arith.constant 1.250000e+00 : f32
    %mul3A_168 = vector.broadcast %mul3A_167 : f32 to vector<4096x101xf32>
    %mul3A_169 = arith.mulf %log3A_166, %mul3A_168 : vector<4096x101xf32>
    %reduce_max3A_170 = arith.constant dense<0xFF800000> : vector<4096xf32>
    %reduce_max3A_171 = vector.multi_reduction <maximumf>, %mul3A_169, %reduce_max3A_170 [1] : vector<4096x101xf32> to vector<4096xf32>
    %broadcast_in_dim3A_172 = vector.shape_cast %reduce_max3A_171 : vector<4096xf32> to vector<4096x1xf32>
    %sub3A_173 = vector.broadcast %broadcast_in_dim3A_172 : vector<4096x1xf32> to vector<4096x101xf32>
    %sub3A_174 = arith.subf %mul3A_169, %sub3A_173 : vector<4096x101xf32>
    %exp3A_175 = math.exp %sub3A_174 : vector<4096x101xf32>
    %reduce_sum3A_176 = arith.constant dense<0.000000e+00> : vector<4096xf32>
    %reduce_sum3A_177 = vector.multi_reduction <add>, %exp3A_175, %reduce_sum3A_176 [1] : vector<4096x101xf32> to vector<4096xf32>
    %broadcast_in_dim3A_178 = vector.shape_cast %reduce_sum3A_177 : vector<4096xf32> to vector<4096x1xf32>
    %div3A_179 = vector.broadcast %broadcast_in_dim3A_178 : vector<4096x1xf32> to vector<4096x101xf32>
    %div3A_180 = arith.divf %exp3A_175, %div3A_179 : vector<4096x101xf32>
    %slice3A_181 = vector.extract_strided_slice %get3A_57 {offsets = [640, 0], sizes = [128, 200], strides = [1, 1]} : vector<896x200xf32> to vector<128x200xf32>
    %dot_general3A_182 = arith.constant dense<0.000000e+00> : vector<101x200xf32>
    %dot_general3A_183 = tpu.matmul %dot_general3A_46, %slice3A_181, %dot_general3A_182 {dimension_numbers = #tpu.dot_dimension_numbers<[1], [0], [0], [1], [0, 0, 1, 1], [], []>, transpose_lhs_hint = false} : vector<101x128xf32>, vector<128x200xf32>, vector<101x200xf32> -> vector<101x200xf32>
    %dot_general3A_184 = arith.constant dense<0.000000e+00> : vector<4096x200xf32>
    %dot_general3A_185 = tpu.matmul %div3A_180, %dot_general3A_183, %dot_general3A_184 {dimension_numbers = #tpu.dot_dimension_numbers<[1], [0], [0], [1], [0, 0, 1, 1], [], []>, transpose_lhs_hint = false} : vector<4096x101xf32>, vector<101x200xf32>, vector<4096x200xf32> -> vector<4096x200xf32>
    %add3A_186 = arith.addf %add3A_158, %dot_general3A_185 : vector<4096x200xf32>
    %get3A_187 = arith.constant 0 : index
    %get3A_188 = arith.constant 0 : index
    %get3A_189 = vector.load %arg16[%get3A_187, %get3A_188] : memref<64x128xf32, #tpu.memory_space<vmem>>, vector<64x128xf32>
    %slice3A_190 = vector.extract_strided_slice %get3A_57 {offsets = [768, 0], sizes = [128, 200], strides = [1, 1]} : vector<896x200xf32> to vector<128x200xf32>
    %dot_general3A_191 = arith.constant dense<0.000000e+00> : vector<64x200xf32>
    %dot_general3A_192 = tpu.matmul %get3A_189, %slice3A_190, %dot_general3A_191 {dimension_numbers = #tpu.dot_dimension_numbers<[1], [0], [0], [1], [0, 0, 1, 1], [], []>, transpose_lhs_hint = false} : vector<64x128xf32>, vector<128x200xf32>, vector<64x200xf32> -> vector<64x200xf32>
    %dot_general3A_193 = arith.constant dense<0.000000e+00> : vector<4096x200xf32>
    %dot_general3A_194 = tpu.matmul %sub3A_39, %dot_general3A_192, %dot_general3A_193 {dimension_numbers = #tpu.dot_dimension_numbers<[1], [0], [0], [1], [0, 0, 1, 1], [], []>, transpose_lhs_hint = false} : vector<4096x64xf32>, vector<64x200xf32>, vector<4096x200xf32> -> vector<4096x200xf32>
    %add3A_195 = arith.addf %add3A_186, %dot_general3A_194 : vector<4096x200xf32>
    %get3A_196 = arith.constant 0 : index
    %get3A_197 = arith.constant 0 : index
    %get3A_198 = vector.load %arg19[%get3A_196, %get3A_197] : memref<1x200xf32, #tpu.memory_space<vmem>>, vector<1x200xf32>
    %add3A_199 = vector.broadcast %get3A_198 : vector<1x200xf32> to vector<4096x200xf32>
    %add3A_200 = arith.addf %add3A_195, %add3A_199 : vector<4096x200xf32>
    %reduce_sum3A_201 = arith.constant dense<0.000000e+00> : vector<200xf32>
    %reduce_sum3A_202 = vector.multi_reduction <add>, %add3A_200, %reduce_sum3A_201 [0] : vector<4096x200xf32> to vector<200xf32>
    %broadcast_in_dim3A_203 = vector.shape_cast %reduce_sum3A_202 : vector<200xf32> to vector<1x200xf32>
    %div3A_204 = arith.constant 4.096000e+03 : f32
    %div3A_205 = vector.broadcast %div3A_204 : f32 to vector<1x200xf32>
    %div3A_206 = arith.divf %broadcast_in_dim3A_203, %div3A_205 : vector<1x200xf32>
    %sub3A_207 = vector.broadcast %div3A_206 : vector<1x200xf32> to vector<4096x200xf32>
    %sub3A_208 = arith.subf %add3A_200, %sub3A_207 : vector<4096x200xf32>
    %mul3A_209 = arith.mulf %sub3A_208, %sub3A_208 : vector<4096x200xf32>
    %reduce_sum3A_210 = arith.constant dense<0.000000e+00> : vector<200xf32>
    %reduce_sum3A_211 = vector.multi_reduction <add>, %mul3A_209, %reduce_sum3A_210 [0] : vector<4096x200xf32> to vector<200xf32>
    %broadcast_in_dim3A_212 = vector.shape_cast %reduce_sum3A_211 : vector<200xf32> to vector<1x200xf32>
    %div3A_213 = arith.constant 4.095000e+03 : f32
    %div3A_214 = vector.broadcast %div3A_213 : f32 to vector<1x200xf32>
    %div3A_215 = arith.divf %broadcast_in_dim3A_212, %div3A_214 : vector<1x200xf32>
    %sqrt3A = math.sqrt %div3A_215 : vector<1x200xf32>
    %div3A_216 = vector.broadcast %sqrt3A : vector<1x200xf32> to vector<4096x200xf32>
    %div3A_217 = arith.divf %sub3A_208, %div3A_216 : vector<4096x200xf32>
    %add3A_218 = arith.constant 9.99999993E-9 : f32
    %add3A_219 = vector.broadcast %add3A_218 : f32 to vector<4096x200xf32>
    %add3A_220 = arith.addf %div3A_217, %add3A_219 : vector<4096x200xf32>
    %logistic3A = arith.negf %add3A_220 : vector<4096x200xf32>
    %logistic3A_221 = math.exp %logistic3A : vector<4096x200xf32>
    %logistic3A_222 = arith.constant 1.000000e+00 : f32
    %logistic3A_223 = vector.broadcast %logistic3A_222 : f32 to vector<4096x200xf32>
    %logistic3A_224 = arith.addf %logistic3A_223, %logistic3A_221 : vector<4096x200xf32>
    %logistic3A_225 = arith.divf %logistic3A_223, %logistic3A_224 : vector<4096x200xf32>
    %mul3A_226 = arith.mulf %add3A_200, %logistic3A_225 : vector<4096x200xf32>
    %get3A_227 = arith.constant 0 : index
    %get3A_228 = arith.constant 0 : index
    %get3A_229 = vector.load %arg20[%get3A_227, %get3A_228] : memref<1x1xf32, #tpu.memory_space<vmem>>, vector<1x1xf32>
    %mul3A_230 = vector.broadcast %get3A_229 : vector<1x1xf32> to vector<4096x200xf32>
    %mul3A_231 = arith.mulf %mul3A_230, %add3A_200 : vector<4096x200xf32>
    %sub3A_232 = arith.constant 1.000000e+00 : f32
    %sub3A_233 = vector.broadcast %sub3A_232 : f32 to vector<4096x200xf32>
    %sub3A_234 = arith.subf %sub3A_233, %logistic3A_225 : vector<4096x200xf32>
    %mul3A_235 = arith.mulf %mul3A_231, %sub3A_234 : vector<4096x200xf32>
    %add3A_236 = arith.addf %mul3A_226, %mul3A_235 : vector<4096x200xf32>
    %get3A_237 = arith.constant 0 : index
    %get3A_238 = arith.constant 0 : index
    %get3A_239 = vector.load %arg21[%get3A_237, %get3A_238] : memref<200x80xf32, #tpu.memory_space<vmem>>, vector<200x80xf32>
    %dot_general3A_240 = arith.constant dense<0.000000e+00> : vector<4096x80xf32>
    %dot_general3A_241 = tpu.matmul %add3A_236, %get3A_239, %dot_general3A_240 {dimension_numbers = #tpu.dot_dimension_numbers<[1], [0], [0], [1], [0, 0, 1, 1], [], []>, transpose_lhs_hint = false} : vector<4096x200xf32>, vector<200x80xf32>, vector<4096x80xf32> -> vector<4096x80xf32>
    %get3A_242 = arith.constant 0 : index
    %get3A_243 = arith.constant 0 : index
    %get3A_244 = vector.load %arg22[%get3A_242, %get3A_243] : memref<1x80xf32, #tpu.memory_space<vmem>>, vector<1x80xf32>
    %add3A_245 = vector.broadcast %get3A_244 : vector<1x80xf32> to vector<4096x80xf32>
    %add3A_246 = arith.addf %dot_general3A_241, %add3A_245 : vector<4096x80xf32>
    %reduce_sum3A_247 = arith.constant dense<0.000000e+00> : vector<80xf32>
    %reduce_sum3A_248 = vector.multi_reduction <add>, %add3A_246, %reduce_sum3A_247 [0] : vector<4096x80xf32> to vector<80xf32>
    %broadcast_in_dim3A_249 = vector.shape_cast %reduce_sum3A_248 : vector<80xf32> to vector<1x80xf32>
    %div3A_250 = arith.constant 4.096000e+03 : f32
    %div3A_251 = vector.broadcast %div3A_250 : f32 to vector<1x80xf32>
    %div3A_252 = arith.divf %broadcast_in_dim3A_249, %div3A_251 : vector<1x80xf32>
    %sub3A_253 = vector.broadcast %div3A_252 : vector<1x80xf32> to vector<4096x80xf32>
    %sub3A_254 = arith.subf %add3A_246, %sub3A_253 : vector<4096x80xf32>
    %mul3A_255 = arith.mulf %sub3A_254, %sub3A_254 : vector<4096x80xf32>
    %reduce_sum3A_256 = arith.constant dense<0.000000e+00> : vector<80xf32>
    %reduce_sum3A_257 = vector.multi_reduction <add>, %mul3A_255, %reduce_sum3A_256 [0] : vector<4096x80xf32> to vector<80xf32>
    %broadcast_in_dim3A_258 = vector.shape_cast %reduce_sum3A_257 : vector<80xf32> to vector<1x80xf32>
    %div3A_259 = arith.constant 4.095000e+03 : f32
    %div3A_260 = vector.broadcast %div3A_259 : f32 to vector<1x80xf32>
    %div3A_261 = arith.divf %broadcast_in_dim3A_258, %div3A_260 : vector<1x80xf32>
    %sqrt3A_262 = math.sqrt %div3A_261 : vector<1x80xf32>
    %div3A_263 = vector.broadcast %sqrt3A_262 : vector<1x80xf32> to vector<4096x80xf32>
    %div3A_264 = arith.divf %sub3A_254, %div3A_263 : vector<4096x80xf32>
    %add3A_265 = arith.constant 9.99999993E-9 : f32
    %add3A_266 = vector.broadcast %add3A_265 : f32 to vector<4096x80xf32>
    %add3A_267 = arith.addf %div3A_264, %add3A_266 : vector<4096x80xf32>
    %logistic3A_268 = arith.negf %add3A_267 : vector<4096x80xf32>
    %logistic3A_269 = math.exp %logistic3A_268 : vector<4096x80xf32>
    %logistic3A_270 = arith.constant 1.000000e+00 : f32
    %logistic3A_271 = vector.broadcast %logistic3A_270 : f32 to vector<4096x80xf32>
    %logistic3A_272 = arith.addf %logistic3A_271, %logistic3A_269 : vector<4096x80xf32>
    %logistic3A_273 = arith.divf %logistic3A_271, %logistic3A_272 : vector<4096x80xf32>
    %mul3A_274 = arith.mulf %add3A_246, %logistic3A_273 : vector<4096x80xf32>
    %get3A_275 = arith.constant 0 : index
    %get3A_276 = arith.constant 0 : index
    %get3A_277 = vector.load %arg23[%get3A_275, %get3A_276] : memref<1x1xf32, #tpu.memory_space<vmem>>, vector<1x1xf32>
    %mul3A_278 = vector.broadcast %get3A_277 : vector<1x1xf32> to vector<4096x80xf32>
    %mul3A_279 = arith.mulf %mul3A_278, %add3A_246 : vector<4096x80xf32>
    %sub3A_280 = arith.constant 1.000000e+00 : f32
    %sub3A_281 = vector.broadcast %sub3A_280 : f32 to vector<4096x80xf32>
    %sub3A_282 = arith.subf %sub3A_281, %logistic3A_273 : vector<4096x80xf32>
    %mul3A_283 = arith.mulf %mul3A_279, %sub3A_282 : vector<4096x80xf32>
    %add3A_284 = arith.addf %mul3A_274, %mul3A_283 : vector<4096x80xf32>
    %get3A_285 = arith.constant 0 : index
    %get3A_286 = arith.constant 0 : index
    %get3A_287 = vector.load %arg24[%get3A_285, %get3A_286] : memref<1x80xf32, #tpu.memory_space<vmem>>, vector<1x80xf32>
    %mul3A_288 = vector.broadcast %get3A_287 : vector<1x80xf32> to vector<4096x80xf32>
    %mul3A_289 = arith.mulf %add3A_284, %mul3A_288 : vector<4096x80xf32>
    %reduce_sum3A_290 = arith.constant dense<0.000000e+00> : vector<4096xf32>
    %reduce_sum3A_291 = vector.multi_reduction <add>, %mul3A_289, %reduce_sum3A_290 [1] : vector<4096x80xf32> to vector<4096xf32>
    %broadcast_in_dim3A_292 = vector.shape_cast %reduce_sum3A_291 : vector<4096xf32> to vector<4096x1xf32>
    %get3A_293 = arith.constant 0 : index
    %get3A_294 = arith.constant 0 : index
    %get3A_295 = vector.load %arg25[%get3A_293, %get3A_294] : memref<1x1xf32, #tpu.memory_space<vmem>>, vector<1x1xf32>
    %add3A_296 = vector.broadcast %get3A_295 : vector<1x1xf32> to vector<4096x1xf32>
    %add3A_297 = arith.addf %broadcast_in_dim3A_292, %add3A_296 : vector<4096x1xf32>
    %logistic3A_298 = arith.negf %add3A_297 : vector<4096x1xf32>
    %logistic3A_299 = math.exp %logistic3A_298 : vector<4096x1xf32>
    %logistic3A_300 = arith.constant 1.000000e+00 : f32
    %logistic3A_301 = vector.broadcast %logistic3A_300 : f32 to vector<4096x1xf32>
    %logistic3A_302 = arith.addf %logistic3A_301, %logistic3A_299 : vector<4096x1xf32>
    %logistic3A_303 = arith.divf %logistic3A_301, %logistic3A_302 : vector<4096x1xf32>
    %swap3A = arith.constant 0 : index
    %swap3A_304 = arith.constant 0 : index
    %swap3A_305 = vector.load %arg26[%swap3A, %swap3A_304] : memref<4096x1xf32, #tpu.memory_space<vmem>>, vector<4096x1xf32>
    tpu.vector_store %arg26[%swap3A, %swap3A_304], %logistic3A_303 {strides = array<i32>} : memref<4096x1xf32, #tpu.memory_space<vmem>>, vector<4096x1xf32>,
    return
  }
}

</mosaic_0001>

<sc_bundles>
// kernel: kernel.4.cloned.1.call-start
scs
__scs_entry_jumppad:
0x0: {  	(pc) =	sbr.rel $0x88, $3  }
0x1: {  	(tag) =	ssettag $0x0;
	lr =	simm.s32 $0x1  }
0x2: {  	[smem:$0x3F92] =	sst lr;
	_ =	strace $0xD0000000  }
0x3: {  	_ = 	snop  }
0x4: {  	_ = 	snop  }
0x5: {  	_ = 	snop  }
0x6: {  	_ = 	snop  }
0x7: {  	_ = 	snop  }
__scs_overlays_trampoline_lowered:
0x8: {  	[smem:$0x3FA1] =	sst s0  }
0x9: {  	[smem:$0x3FA2] =	sst s1  }
0xa: {  	[smem:$0x3FA3] =	sst s2  }
0xb: {  	[smem:$0x3FA4] =	sst s3  }
0xc: {  	[smem:$0x3FA5] =	sst s4  }
0xd: {  	[smem:$0x3FA6] =	sst s5  }
0xe: {  	[smem:$0x3FA7] =	sst s6  }
0xf: {  	[smem:$0x3FA8] =	sst s7  }
0x10: {  	[smem:$0x3FA9] =	sst s8  }
0x11: {  	[smem:$0x3FAA] =	sst s9;
	s0 =	simm.s32 @!p0 $0x0  }
0x12: {  	s1 =	sld [smem:$0x3F90];
	s0 =	simm.s32 @p0 $0x1  }
0x13: {  	[smem:$0x3FAB] =	sst s0;
	s0 =	simm.s32 @!p1 $0x0  }
0x14: {  	s2 =	sld [smem:$0x3F8F];
	s0 =	simm.s32 @p1 $0x1  }
0x15: {  	[smem:$0x3FAC] =	sst s0;
	s0 =	simm.s32 @!p2 $0x0  }
0x16: {  	s3 =	sld [smem:$0x3FDB];
	s0 =	simm.s32 @p2 $0x1  }
0x17: {  	s4 =	simm.s32 $0x1BF5;
	[smem:$0x3FAE] =	sst s0  }
0x18: {  	s0 =	sld [smem:$0x3F91];
	_ =	swait.ge [sflag:s4], $0x0  }
0x19: {  	s7 =	sld [smem:$0x3F92]  }
0x1a: {  	s8 =	sadd.s32 $0xFFFFE003, lr  }
0x1b: {  	s9 =	sadd.s32 $0xFFFFFEF7, lr;
	s5 =	simm.s32 $0xFFFFFFFF;
	p2 =	slt.u32 s8, $0xFFFFF086  }
0x1c: {  	p1 =	slt.u32 s9, $0xF7A;
	s5 =	simm.s32 @!p2 $0x0  }
0x1d: {  	s5 =	simm.s32 @p1 $0x1;
	p0 =	seq.s32 s7, s2  }
0x1e: {  	s7 =	smul.u32 @!p0 $0xF7A, s2;
	p2 =	seq.s32 @!p0 s5, $0x0  }
0x1f: {  	s9 =	smul.u32 $0xF7A, s1;
	s8 =	simm.s32 @!p0 $0x1BF5;
	p2 =	por !p2, p0  }
0x20: {  	[sflag:s8] =	ssyncset.s32 @!p0 $0xFFFFF086;
	s6 =	sadd.s32 @!p0 s3, s7;
	s7 =	simm.s32 @!p0 $0x108  }
0x21: {  	s3 =	sadd.s32 s3, s9;
	s6 =	sadd.s32 @!p0 $0x88, s6;
	s7 =	simm.s32 @p2 $0x1082  }
0x22: {  	[simem:s7], [sflag:s8] =	dma.local @!p0 [hbm:s6], $0xF7A  }
0x23: {  	s9 =	sor.u32 $0xD0000000, s2;
	s6 =	simm.s32 $0x108;
	_ =	swait.ge @!p0 [sflag:s8], $0x0  }
0x24: {  	s3 =	sadd.s32 $0x88, s3;
	s6 =	simm.s32 @!p1 $0x1082;
	[sflag:s4] =	ssyncset.s32 $0xFFFFF086  }
0x25: {  	[simem:s6], [sflag:s4] =	dma.local [hbm:s3], $0xF7A  }
0x26: {  	[smem:$0x3F92] =	sst s1;
	(tag) =	ssettag s2;
	_ =	strace s9  }
0x27: {  	s1 =	sld [smem:$0x3FA2]  }
0x28: {  	s2 =	sld [smem:$0x3FA3]  }
0x29: {  	s4 =	sld [smem:$0x3FA5]  }
0x2a: {  	p0 =	seq.s32 s5, $0x0;
	s5 =	sld [smem:$0x3FA6]  }
0x2b: {  	s6 =	sld [smem:$0x3FA7]  }
0x2c: {  	s7 =	sld [smem:$0x3FA8]  }
0x2d: {  	s3 =	simm.s32 $0x108;
	s8 =	sld [smem:$0x3FA9]  }
0x2e: {  	s3 =	simm.s32 @!p0 $0x1082;
	s9 =	sld [smem:$0x3FAA]  }
0x2f: {  	lr =	sadd.s32 s0, s3;
	s0 =	sld [smem:$0x3FA1]  }
0x30: {  	s3 =	sld [smem:$0x3FA4]  }
0x31: {  	[smem:$0x3FAD] =	sst s10  }
0x32: {  	s10 =	sld [smem:$0x3FAB];
	_ =	sdelay $0x3  }
0x33: {  	p0 =	seq.s32 s10, $0x1;
	s10 =	sld [smem:$0x3FAD];
	_ =	sdelay $0x3  }
0x34: {  	[smem:$0x3FAD] =	sst s10  }
0x35: {  	s10 =	sld [smem:$0x3FAC];
	_ =	sdelay $0x3  }
0x36: {  	p1 =	seq.s32 s10, $0x1;
	s10 =	sld [smem:$0x3FAD];
	_ =	sdelay $0x3  }
0x37: {  	[smem:$0x3FAD] =	sst s10  }
0x38: {  	s10 =	sld [smem:$0x3FAE]  }
0x39: {  	_ = 	snop;
	(pc) =	sbr.ind lr, $3  }
0x3a: {  	_ = 	snop  }
0x3b: {  	_ = 	snop  }
0x3c: {  	p2 =	seq.s32 s10, $0x1;
	s10 =	sld [smem:$0x3FAD]  }
0x3d: {  	_ =	shalt  }
0x3e: {  	_ =	shalt  }
0x3f: {  	_ =	shalt  }
0x40: {  	_ =	shalt  }
0x41: {  	_ =	shalt  }
0x42: {  	_ =	shalt  }
0x43: {  	_ =	shalt  }
0x44: {  	_ =	shalt  }
0x45: {  	_ =	shalt  }
0x46: {  	_ =	shalt  }
0x47: {  	_ =	shalt  }
0x48: {  	_ =	shalt  }
0x49: {  	_ =	shalt  }
0x4a: {  	_ =	shalt  }
0x4b: {  	_ =	shalt  }
0x4c: {  	_ =	shalt  }
0x4d: {  	_ =	shalt  }
0x4e: {  	_ =	shalt  }
0x4f: {  	_ =	shalt  }
0x50: {  	_ =	shalt  }
0x51: {  	_ =	shalt  }
0x52: {  	_ =	shalt  }
0x53: {  	_ =	shalt  }
0x54: {  	_ =	shalt  }
0x55: {  	_ =	shalt  }
0x56: {  	_ =	shalt  }
0x57: {  	_ =	shalt  }
0x58: {  	_ =	shalt  }
0x59: {  	_ =	shalt  }
0x5a: {  	_ =	shalt  }
0x5b: {  	_ =	shalt  }
0x5c: {  	_ =	shalt  }
0x5d: {  	_ =	shalt  }
0x5e: {  	_ =	shalt  }
0x5f: {  	_ =	shalt  }
0x60: {  	_ =	shalt  }
0x61: {  	_ =	shalt  }
0x62: {  	_ =	shalt  }
0x63: {  	_ =	shalt  }
0x64: {  	_ =	shalt  }
0x65: {  	_ =	shalt  }
0x66: {  	_ =	shalt  }
0x67: {  	_ =	shalt  }
0x68: {  	_ =	shalt  }
0x69: {  	_ =	shalt  }
0x6a: {  	_ =	shalt  }
0x6b: {  	_ =	shalt  }
0x6c: {  	_ =	shalt  }
0x6d: {  	_ =	shalt  }
0x6e: {  	_ =	shalt  }
0x6f: {  	_ =	shalt  }
0x70: {  	_ =	shalt  }
0x71: {  	_ =	shalt  }
0x72: {  	_ =	shalt  }
0x73: {  	_ =	shalt  }
0x74: {  	_ =	shalt  }
0x75: {  	_ =	shalt  }
0x76: {  	_ =	shalt  }
0x77: {  	_ =	shalt  }
0x78: {  	_ =	shalt  }
0x79: {  	_ =	shalt  }
0x7a: {  	_ =	shalt  }
0x7b: {  	_ =	shalt  }
0x7c: {  	_ =	shalt  }
0x7d: {  	_ =	shalt  }
0x7e: {  	_ =	shalt  }
0x7f: {  	_ =	shalt  }
0x80: {  	_ =	shalt  }
0x81: {  	_ =	shalt  }
0x82: {  	_ =	shalt  }
0x83: {  	_ =	shalt  }
0x84: {  	_ =	shalt  }
0x85: {  	_ =	shalt  }
0x86: {  	_ =	shalt  }
0x87: {  	_ =	shalt  }
.Lfunc_end0:
.L_simem_size_0:
called_computation_lowered:
.L_overlay_start_0:
0x88: {  	s2 =	sld [smem:$0x3FD9]  }
0x89: {  	s3 =	sld [smem:$0x3FFE];
	_ =	sdelay $0x1  }
0x8a: {  	s1 =	srdreg.scid  }
0x8b: {  	s0 =	sand.u32 $0x1, s1  }
0x8c: {  	s17 =	sshll.u32 s0, $0xA;
	s2 =	sadd.s32 s3, s2  }
0x8d: {  	s2 =	sadd.s32 s2, s17  }
0x8e: {  	[smem:$0x3FB9] =	sst s2  }
0x8f: {  	_ = 	snop  }
0x90: {  	s2 =	sld [smem:$0x3FD0];
	(tm) =	ssettm $0x1  }
0x91: {  	s18 =	sld [smem:$0x3FFB];
	_ =	sdelay $0x3  }
0x92: {  	_ =	strace s18  }
0x93: {  	s3 =	sld [smem:$0x3FFC];
	_ =	sdelay $0x3  }
0x94: {  	_ =	strace s3  }
0x95: {  	s3 =	sld [smem:$0x3FFD];
	_ =	sdelay $0x3  }
0x96: {  	_ =	strace s3  }
0x97: {  	_ =	strace $0x8FFFFFFF  }
0x98: {  	s19 =	sld [smem:$0x3FDB];
	_ =	sdelay $0x1  }
0x99: {  	s4 =	simm.s32 $_scs_section_size  }
0x9a: {  	s5 =	simm.s32 $_size__tile_overlayer_lowered;
	s6 =	simm.s32 $_tile_overlayer_lowered  }
0x9b: {  	s22 =	simm.s32 $0x1BFF;
	s21 =	sshll.u32 s6, $0x1;
	s3 =	sadd.s32 s4, s19  }
0x9c: {  	s7 =	simm.s32 $0x0;
	s20 =	sshll.u32 s5, $0x1;
	s5 =	sadd.s32 s21, s3  }
0x9d: {  	[timem:s7], [sflag:s22] =	dma.local [hbm:s5], s20  }
0x9e: {  	_ =	swait.ge [sflag:s22], s20  }
0x9f: {  	s4 =	ssub.s32 $0x0, s20;
	[sflag:s22] =	ssyncset.done $0x0  }
0xa0: {  	[sflag:s22] =	ssyncadd.s32 s4;
	_ =	sdelay $0x1  }
0xa1: {  	s23 =	simm.s32 $0x1B8B  }
0xa2: {  	_ =	swait.ge [sflag:s23], $0x1  }
0xa3: {  	[sflag:s23] =	ssyncset.done $0x0  }
0xa4: {  	s25 =	simm.s32 $0x1B8E;
	s24 =	sld [smem:$0x3FFE];
	[sflag:s23] =	ssyncadd.s32 $0xFFFFFFFF  }
0xa5: {  	s26 =	simm.s32 $execute0_lowered;
	[smem:$0x3FD2] =	sst s25  }
0xa6: {  	s5 =	sshll.u32 s26, $0x1;
	_ =	strace $0x80000046;
	[dreg:$0x1] =	wrdreg $0xFFFFFFFF  }
0xa7: {  	s28 =	simm.s32 $_size_execute0_lowered;
	s3 =	sadd.s32 s3, s5;
	[dreg:$0x0] =	wrdreg $0x0  }
0xa8: {  	s5 =	sshll.u32 s28, $0x1;
	[dreg:$0x2] =	wrdreg s3  }
0xa9: {  	[dreg:$0x3] =	wrdreg s5  }
0xaa: {  	[dreg:$0x4] =	wrdreg $0xC0  }
0xab: {  	_ =	task [dreg:s7], $0x5FFFF  }
0xac: {  	[dreg:$0x1] =	wrdreg $0xFFFFFFFF  }
0xad: {  	[dreg:$0x0] =	wrdreg $0x60  }
0xae: {  	[dreg:$0x2] =	wrdreg s24  }
0xaf: {  	[dreg:$0x3] =	wrdreg s2  }
0xb0: {  	[dreg:$0x4] =	wrdreg $0x9  }
0xb1: {  	_ =	task.clear_ibuf [dreg:s7], $0x5FFFF;
	_ =	strace $0x90000046  }
0xb2: {  	s29 =	simm.s32 $0x9;
	_ =	strace $0x80000048  }
0xb3: {  	_ =	swait.ge [sflag:s29], $0x1  }
0xb4: {  	[sflag:s29] =	ssyncadd.s32 $0xFFFFFFFF  }
0xb5: {  	_ =	strace $0x90000048  }
0xb6: {  	_ =	sfence  }
0xb7: {  	s30 =	sld [smem:$0x0];
	_ =	sdelay $0x2  }
0xb8: {  	s31 =	sshll.u32 s1, $0xD;
	s1 =	sshrl.u32 s1, $0x2  }
0xb9: {  	s3 =	sand.u32 $0x4000, s31;
	s1 =	sadd.s32 s1, s30  }
0xba: {  	s0 =	sor.u32 s3, s0;
	s1 =	sshll.u32 s1, $0x11  }
0xbb: {  	s0 =	sor.u32 s1, s0  }
0xbc: {  	s0 =	sadd.s32 $0x8F2B, s0  }
0xbd: {  	[sflag:s0] =	ssyncadd.remote.s32 $0x1  }
0xbe: {  	_ =	sfence.sel $0xFFFF  }
0xbf: {  	[dreg:$0x0] =	wrdreg $0xFFFFFFFF;
	(pc) =	sbr.abs _section_cstart, $3  }
0xc0: {  	[dreg:$0x1] =	wrdreg $0xFFFFFFFF  }
0xc1: {  	_ =	task.clear_ibuf [dreg:s7], $0x2FFFF;
	_ =	strace $0x9FFFFFFF  }
0xc2: {  	(tm) =	ssettm $0x7FFFFFFF  }
0xc3: {  	_ =	shalt  }
tec
execute0_lowered:
.L_overlay_start_1:
0x0: {  	(tag) =	ssettag $0x1  }
0x1: {  	s0 =	rddreg [dreg:$0x0];
	s1 =	srdreg.scid  }
0x2: {  	s2 =	stileid.u32;
	s9 =	rddreg [dreg:$0x1];
	s14 =	simm.s32 $0x7  }
0x3: {  	s15 =	simm.s32 $0x80;
	s16 =	simm.s32 $0x1100;
	s20 =	simm.s32 $0xE0  }
0x4: {  	s28 =	simm.s32 $0x3;
	s29 =	simm.s32 $0x5;
	s30 =	simm.s32 $0x4  }
0x5: {  	s31 =	simm.s32 $0x6;
	s21 =	simm.s32 $0x1;
	s22 =	simm.s32 $0x2  }
0x6: {  	s23 =	simm.s32 $0x0;
	s1 =	sand.u32 $0x1, s1;
	s3 =	sshll.u32 s2, $0x1  }
0x7: {  	s2 =	simm.s32 $0x0;
	s4 =	sadd.s32 $0x134C00, s0;
	s5 =	sor.u32 s1, s3  }
0x8: {  	[smem:$0x7FF] =	sst s2;
	s1 =	ssub.s32 $0x2, s1;
	s3 =	smul.u32 $0x380, s5  }
0x9: {  	_ =	strace $0x80000047;
	s10 =	sshll.u32 s5, $0x4;
	s8 =	sshll.u32 s5, $0x9  }
0xa: {  	s5 =	sshll.u32 s5, $0xA;
	s25 =	sshrl.u32 s1, $0x1;
	s6 =	sadd.s32 s10, s0  }
0xb: {  	s12 =	sadd.s32 s8, s0;
	s1 =	ssub.s32 s1, s25;
	s9 =	sadd.s32 s9, s10  }
.Ltmp0:
0xc: {  	s7 =	sadd.s32 s3, s0;
	s3 =	sadd.s32 $0xFA00, s0;
	(pc) =	sbr.rel .LBB2_1-.Ltmp0, $4  }
0xd: {  	s0 =	sadd.s32 s5, s0;
	s26 =	sadd.s32 $0x1800, s6;
	s11 =	sadd.s32 $0x196800, s12  }
0xe: {  	s12 =	sadd.s32 $0x19A800, s12;
	s13 =	smax.u32 s1, $0x1;
	s5 =	simm.s32 $0x100  }
0xf: {  	[dreg:$0x3] =	wrdreg s26;
	s6 =	sadd.s32 $0x1A00, s7;
	s8 =	sadd.s32 $0x19E800, s0  }
0x10: {  	s7 =	sadd.s32 $0x8A00, s7;
	s10 =	sadd.s32 $0x1A6800, s0;
	s26 =	simm.s32 $0xAD00  }
.LBB2_20:
0x11: {  	s0 =	simm.s32 $0xC900  }
0x12: {  	[hbm4b:s8+s2] =	stream.linear.scatter [tilespmem:s0], [sflag:$0x7], $0x2000, $0x38;
	[tilespmem:$0x10900] =	vst v63  }
0x13: {  	_ =	swait.ge [sflag:s14], $0x2000  }
0x14: {  	[sflag:s14] =	ssyncset.done $0x0  }
0x15: {  	s25 =	simm.s32 $0xE900;
	[sflag:s14] =	ssyncadd.s32 $0xFFFFE000  }
0x16: {  	[hbm4b:s10+s2] =	stream.linear.scatter [tilespmem:s25], [sflag:$0x7], $0x2000, $0x38;
	[tilespmem:$0x10900] =	vst v63  }
0x17: {  	_ =	swait.ge [sflag:s14], $0x2000  }
0x18: {  	[sflag:s14] =	ssyncset.done $0x0  }
0x19: {  	[sflag:s14] =	ssyncadd.s32 $0xFFFFE000  }
0x1a: {  	_ =	swait.ge [sflag:s21], $0x1000  }
0x1b: {  	[sflag:s21] =	ssyncset.done $0x0  }
0x1c: {  	[sflag:s21] =	ssyncadd.s32 $0xFFFFF000  }
0x1d: {  	_ =	swait.ge [sflag:s22], $0x1000  }
0x1e: {  	[sflag:s22] =	ssyncset.done $0x0  }
0x1f: {  	s5 =	simm.s32 $0x100;
	[sflag:s22] =	ssyncadd.s32 $0xFFFFF000  }
0x20: {  	[hbm4b:s11+s2] =	stream.linear.scatter [tilespmem:s5], [sflag:$0x7], $0x1000, $0x38;
	[tilespmem:$0x10900] =	vst v63  }
0x21: {  	s23 =	sadd.s32 $0x1, s23;
	_ =	swait.ge [sflag:s14], $0x1000  }
0x22: {  	p0 =	sne.s32 s23, s13;
	[sflag:s14] =	ssyncset.done $0x0  }
.Ltmp1:
0x23: {  	s16 =	simm.s32 $0x1100;
	[sflag:s14] =	ssyncadd.s32 $0xFFFFF000;
	(pc) =	sbr.rel @!p0 .LBB2_21-.Ltmp1, $4  }
0x24: {  	[hbm4b:s12+s2] =	stream.linear.scatter [tilespmem:s16], [sflag:$0x7], $0x1000, $0x38;
	[tilespmem:$0x10900] =	vst v63  }
0x25: {  	_ =	swait.ge [sflag:s14], $0x1000  }
0x26: {  	[sflag:s14] =	ssyncset.done $0x0  }
0x27: {  	[sflag:s14] =	ssyncadd.s32 $0xFFFFF000  }
.LBB2_1:
0x28: {  	s0 =	rddreg [dreg:$0x3]  }
0x29: {  	[tilespmem:s2], [sflag:$0x7] =	stream.linear.gather [hbm4b:s0+s2], $0x80, $0x38;
	[tilespmem:$0x10900] =	vst v63  }
0x2a: {  	_ =	swait.ge [sflag:s14], $0x80  }
0x2b: {  	[sflag:s14] =	ssyncset.done $0x0  }
0x2c: {  	[sflag:s14] =	ssyncadd.s32 $0xFFFFFF80  }
0x2d: {  	[tilespmem:s15], [sflag:$0x7] =	stream.linear.gather [hbm4b:s9+s2], $0x80, $0x38;
	[tilespmem:$0x10900] =	vst v63  }
0x2e: {  	_ =	swait.ge [sflag:s14], $0x80  }
0x2f: {  	[sflag:s14] =	ssyncset.done $0x0  }
0x30: {  	s25 =	simm.s32 $0x2100;
	[sflag:s14] =	ssyncadd.s32 $0xFFFFFF80  }
0x31: {  	[tilespmem:s25], [sflag:$0x7] =	stream.linear.gather [hbm4b:s6+s2], $0x1C00, $0x38;
	[tilespmem:$0x10900] =	vst v63  }
0x32: {  	_ =	swait.ge [sflag:s14], $0x1C00  }
0x33: {  	[sflag:s14] =	ssyncset.done $0x0  }
0x34: {  	s1 =	simm.s32 $0x3D00;
	[sflag:s14] =	ssyncadd.s32 $0xFFFFE400  }
0x35: {  	[tilespmem:s1], [sflag:$0x7] =	stream.linear.gather [hbm4b:s7+s2], $0x1C00, $0x38;
	[tilespmem:$0x10900] =	vst v63  }
0x36: {  	_ =	swait.ge [sflag:s14], $0x1C00  }
0x37: {  	[sflag:s14] =	ssyncset.done $0x0  }
0x38: {  	[sflag:s14] =	ssyncadd.s32 $0xFFFFE400  }
0x39: {  	[tilespmem:s5], [sflag:$0x1] =	stream.indirect.gather [hbm4b:s3+s15], $0x20, s2, s15, $0xb8;
	[tilespmem:$0x10900] =	vst v63  }
0x3a: {  	_ = 	snop  }
0x3b: {  	[tilespmem:s16], [sflag:$0x2] =	stream.indirect.gather [hbm4b:s4+s15], $0x20, s15, s15, $0xb8;
	[tilespmem:$0x10900] =	vst v63  }
0x3c: {  	s17 =	simm.s32 $0x5900  }
0x3d: {  	[tilespmem:s17], [sflag:$0x3] =	stream.indirect.gather [hbm4b:s4+s20], $0x20, s25, s20, $0xb8;
	[tilespmem:$0x10900] =	vst v63  }
0x3e: {  	s18 =	simm.s32 $0x9100  }
0x3f: {  	[tilespmem:s18], [sflag:$0x5] =	stream.indirect.gather [hbm4b:s3+s20], $0x20, s1, s20, $0xb8;
	[tilespmem:$0x10900] =	vst v63  }
0x40: {  	s19 =	simm.s32 $0x21E0;
	s24 =	simm.s32 $0x7500  }
0x41: {  	[tilespmem:s24], [sflag:$0x4] =	stream.indirect.gather [hbm4b:s4+s20], $0x20, s19, s20, $0xb8;
	[tilespmem:$0x10900] =	vst v63  }
0x42: {  	s25 =	simm.s32 $0x3DE0;
	s24 =	simm.s32 $0x0  }
0x43: {  	[tilespmem:s26], [sflag:$0x6] =	stream.indirect.gather [hbm4b:s3+s20], $0x20, s25, s20, $0xb8;
	[tilespmem:$0x10900] =	vst v63  }
.LBB2_2:
0x44: {  	s25 =	sshll.u32 s24, $0xB  }
0x45: {  	_ =	swait.ge [sflag:s28], $0x1C00;
	s0 =	sshra.s32 s25, $0x2  }
0x46: {  	[sflag:s28] =	ssyncset.done $0x0;
	s17 =	sadd.s32 $0xC900, s0  }
0x47: {  	s1 =	simm.s32 $0x0;
	s16 =	simm.s32 $0x5980;
	[sflag:s28] =	ssyncadd.s32 $0xFFFFE400;
	v0 =	vmov s17  }
.LBB2_3:
0x48: {  	v1 =	vmov s16;
	_ =	sdelay $0x3  }
0x49: {  	s17 =	simm.s32 $0x0  }
0x4a: {  	v2 =	vld.idx.msk [tilespmem:v1+s17+$0x60 ss:$0x1], $0xffff  }
0x4b: {  	v5 =	vld.idx.msk [tilespmem:v1+s17+$0x40 ss:$0x1], $0xffff  }
0x4c: {  	v4 =	vld.idx.msk [tilespmem:v1+s17+$0x20 ss:$0x1], $0xffff  }
0x4d: {  	v12 =	vld.idx.msk [tilespmem:v1+s17+$0x0 ss:$0x1], $0xffff  }
0x4e: {  	v6 =	vld.idx.msk [tilespmem:v1+s17+$0xFFFFFFE0 ss:$0x1], $0xffff  }
0x4f: {  	v3 =	vld.idx.msk [tilespmem:v1+s17+$0xFFFFFFC0 ss:$0x1], $0xffff  }
0x50: {  	v13 =	vld.idx.msk [tilespmem:v1+s17+$0xFFFFFFA0 ss:$0x1], $0xffff  }
0x51: {  	v8 =	vimm.f32 $0.0e+00;
	v14 =	vld.idx.msk [tilespmem:v1+s17+$0xFFFFFF80 ss:$0x1], $0xffff  }
0x52: {  	s18 =	simm.s32 $0x400;
	v11 =	vimm.f32 $0.0e+00;
	v10 =	vimm.f32 $0.0e+00;
	v9 =	vimm.f32 $0.0e+00;
	v7 =	vld.idx.msk [tilespmem:v1+s17+$0xFFFFFF90 ss:$0x1], $0xffff  }
.LBB2_4:
0x53: {  	p0 =	sne.s32 s18, $0x1800;
	v15 =	vunpack.i.u.bf16.f32 v2;
	v16 =	vunpack.i.l.bf16.f32 v2  }
0x54: {  	v17 =	vunpack.i.u.bf16.f32 v4;
	v18 =	vunpack.i.u.bf16.f32 v5;
	v19 =	vunpack.i.l.bf16.f32 v5;
	v2 =	vld.idx.msk [tilespmem:v1+s17+$0xFFFFFFB0 ss:$0x1], $0xffff  }
0x55: {  	v20 =	vunpack.i.u.bf16.f32 v12;
	v12 =	vunpack.i.l.bf16.f32 v12;
	v21 =	vunpack.i.l.bf16.f32 v4  }
0x56: {  	v22 =	vunpack.i.u.bf16.f32 v6;
	v6 =	vunpack.i.l.bf16.f32 v6;
	v4 =	vunpack.i.u.bf16.f32 v3;
	v5 =	vld.idx.msk [tilespmem:v1+s17+$0xFFFFFFD0 ss:$0x1], $0xffff  }
0x57: {  	v3 =	vunpack.i.l.bf16.f32 v3;
	v23 =	vunpack.i.u.bf16.f32 v13;
	v13 =	vunpack.i.l.bf16.f32 v13  }
0x58: {  	v24 =	vunpack.i.u.bf16.f32 v14;
	v14 =	vunpack.i.l.bf16.f32 v14;
	v25 =	vunpack.i.u.bf16.f32 v7;
	v26 =	vld.idx.msk [tilespmem:v1+s17+$0xFFFFFFF0 ss:$0x1], $0xffff  }
0x59: {  	v8 =	vadd.f32 v14, v8;
	v11 =	vadd.f32 v24, v11;
	v7 =	vunpack.i.l.bf16.f32 v7  }
0x5a: {  	v7 =	vadd.f32 v7, v10;
	v9 =	vadd.f32 v25, v9;
	v10 =	vunpack.i.u.bf16.f32 v2;
	v14 =	vld.idx.msk [tilespmem:v1+s17+$0x10 ss:$0x1], $0xffff  }
0x5b: {  	v8 =	vadd.f32 v13, v8;
	v11 =	vadd.f32 v23, v11;
	v2 =	vunpack.i.l.bf16.f32 v2  }
0x5c: {  	v2 =	vadd.f32 v2, v7;
	v7 =	vadd.f32 v10, v9;
	v9 =	vunpack.i.u.bf16.f32 v5;
	v10 =	vld.idx.msk [tilespmem:v1+s17+$0x30 ss:$0x1], $0xffff  }
0x5d: {  	v3 =	vadd.f32 v3, v8;
	v4 =	vadd.f32 v4, v11;
	v5 =	vunpack.i.l.bf16.f32 v5  }
0x5e: {  	s19 =	sshra.s32 s18, $0x2;
	v5 =	vadd.f32 v5, v2;
	v7 =	vadd.f32 v9, v7;
	v8 =	vunpack.i.u.bf16.f32 v26;
	v9 =	vld.idx.msk [tilespmem:v1+s17+$0x50 ss:$0x1], $0xffff  }
0x5f: {  	v3 =	vadd.f32 v6, v3;
	v4 =	vadd.f32 v22, v4;
	v6 =	vunpack.i.l.bf16.f32 v26;
	v2 =	vld.idx.msk [tilespmem:v1+s19+$0x60 ss:$0x1], $0xffff  }
0x60: {  	v6 =	vadd.f32 v6, v5;
	v7 =	vadd.f32 v8, v7;
	v8 =	vunpack.i.u.bf16.f32 v14;
	v22 =	vld.idx.msk [tilespmem:v1+s17+$0x70 ss:$0x1], $0xffff;
	s17 =	smov.u32 s19  }
0x61: {  	v3 =	vadd.f32 v12, v3;
	v11 =	vadd.f32 v20, v4;
	v12 =	vunpack.i.l.bf16.f32 v14;
	v5 =	vld.idx.msk [tilespmem:v1+s17+$0x40 ss:$0x1], $0xffff  }
0x62: {  	v13 =	vadd.f32 v12, v6;
	v7 =	vadd.f32 v8, v7;
	v8 =	vunpack.i.u.bf16.f32 v10;
	v4 =	vld.idx.msk [tilespmem:v1+s17+$0x20 ss:$0x1], $0xffff  }
0x63: {  	v14 =	vadd.f32 v21, v3;
	v11 =	vadd.f32 v17, v11;
	v3 =	vunpack.i.l.bf16.f32 v10;
	v12 =	vld.idx.msk [tilespmem:v1+s17+$0x0 ss:$0x1], $0xffff  }
.Ltmp2:
0x64: {  	v10 =	vadd.f32 v3, v13;
	v7 =	vadd.f32 v8, v7;
	v8 =	vunpack.i.u.bf16.f32 v9;
	v6 =	vld.idx.msk [tilespmem:v1+s17+$0xFFFFFFE0 ss:$0x1], $0xffff;
	(pc) =	sbr.rel @p0 .LBB2_4-.Ltmp2, $4  }
0x65: {  	v17 =	vadd.f32 v19, v14;
	v11 =	vadd.f32 v18, v11;
	v9 =	vunpack.i.l.bf16.f32 v9;
	v3 =	vld.idx.msk [tilespmem:v1+s17+$0xFFFFFFC0 ss:$0x1], $0xffff  }
0x66: {  	v9 =	vadd.f32 v9, v10;
	v18 =	vadd.f32 v8, v7;
	v19 =	vunpack.i.u.bf16.f32 v22;
	v13 =	vld.idx.msk [tilespmem:v1+s17+$0xFFFFFFA0 ss:$0x1], $0xffff  }
0x67: {  	v8 =	vadd.f32 v16, v17;
	v11 =	vadd.f32 v15, v11;
	v10 =	vunpack.i.l.bf16.f32 v22;
	v14 =	vld.idx.msk [tilespmem:v1+s17+$0xFFFFFF80 ss:$0x1], $0xffff  }
0x68: {  	s18 =	sadd.s32 $0x400, s18;
	v10 =	vadd.f32 v10, v9;
	v9 =	vadd.f32 v19, v18;
	v7 =	vld.idx.msk [tilespmem:v1+s17+$0xFFFFFF90 ss:$0x1], $0xffff  }
0x69: {  	_ = 	snop  }
0x6a: {  	v15 =	vunpack.i.u.bf16.f32 v2  }
0x6b: {  	v2 =	vunpack.i.l.bf16.f32 v2;
	v16 =	vunpack.i.u.bf16.f32 v4;
	v17 =	vunpack.i.u.bf16.f32 v5  }
0x6c: {  	v31 =	vunpack.i.l.bf16.f32 v5;
	v18 =	vunpack.i.u.bf16.f32 v12;
	v32 =	vunpack.i.l.bf16.f32 v12  }
0x6d: {  	v19 =	vld.idx.msk [tilespmem:v1+s17+$0xFFFFFFB0 ss:$0x1], $0xffff;
	v33 =	vunpack.i.l.bf16.f32 v4;
	v21 =	vunpack.i.u.bf16.f32 v6;
	v34 =	vunpack.i.l.bf16.f32 v6  }
0x6e: {  	v20 =	vunpack.i.u.bf16.f32 v3;
	v3 =	vunpack.i.l.bf16.f32 v3;
	v23 =	vunpack.i.l.bf16.f32 v14  }
0x6f: {  	v24 =	vld.idx.msk [tilespmem:v1+s17+$0xFFFFFFD0 ss:$0x1], $0xffff;
	v22 =	vunpack.i.u.bf16.f32 v13;
	v36 =	vunpack.i.u.bf16.f32 v14;
	v8 =	vadd.f32 v23, v8  }
0x70: {  	v35 =	vunpack.i.l.bf16.f32 v13;
	v11 =	vadd.f32 v36, v11;
	v37 =	vunpack.i.l.bf16.f32 v7  }
0x71: {  	v39 =	vld.idx.msk [tilespmem:v1+s17+$0xFFFFFFF0 ss:$0x1], $0xffff;
	v38 =	vunpack.i.u.bf16.f32 v7;
	v10 =	vadd.f32 v37, v10;
	v8 =	vadd.f32 v35, v8  }
0x72: {  	v7 =	vadd.f32 v38, v9;
	v41 =	vunpack.i.l.bf16.f32 v19;
	v40 =	vadd.f32 v22, v11  }
0x73: {  	v43 =	vld.idx.msk [tilespmem:v1+s17+$0x10 ss:$0x1], $0xffff;
	v42 =	vunpack.i.u.bf16.f32 v19;
	v10 =	vadd.f32 v41, v10;
	v3 =	vadd.f32 v3, v8  }
0x74: {  	v45 =	vunpack.i.l.bf16.f32 v24;
	v7 =	vadd.f32 v42, v7;
	v44 =	vadd.f32 v20, v40  }
0x75: {  	v47 =	vld.idx.msk [tilespmem:v1+s17+$0x30 ss:$0x1], $0xffff;
	v46 =	vunpack.i.u.bf16.f32 v24;
	v9 =	vadd.f32 v45, v10;
	v3 =	vadd.f32 v34, v3  }
0x76: {  	v50 =	vunpack.i.l.bf16.f32 v39;
	v48 =	vadd.f32 v46, v7;
	v49 =	vadd.f32 v21, v44  }
0x77: {  	v52 =	vld.idx.msk [tilespmem:v1+s17+$0x50 ss:$0x1], $0xffff;
	v51 =	vunpack.i.u.bf16.f32 v39;
	v8 =	vadd.f32 v50, v9;
	v3 =	vadd.f32 v32, v3  }
0x78: {  	v53 =	vunpack.i.l.bf16.f32 v43;
	v6 =	vadd.f32 v51, v48;
	v7 =	vadd.f32 v18, v49  }
0x79: {  	v1 =	vld.idx.msk [tilespmem:v1+s17+$0x70 ss:$0x1], $0xffff;
	v54 =	vunpack.i.u.bf16.f32 v43;
	v8 =	vadd.f32 v53, v8;
	v3 =	vadd.f32 v33, v3  }
0x7a: {  	v57 =	vunpack.i.l.bf16.f32 v47;
	v55 =	vadd.f32 v54, v6;
	v56 =	vadd.f32 v16, v7  }
0x7b: {  	v58 =	vunpack.i.u.bf16.f32 v47;
	v7 =	vadd.f32 v57, v8;
	v3 =	vadd.f32 v31, v3  }
0x7c: {  	s19 =	sshll.u32 s1, $0x6;
	s1 =	sadd.s32 $0x1, s1;
	v60 =	vunpack.i.l.bf16.f32 v52;
	v4 =	vadd.f32 v58, v55;
	v59 =	vadd.f32 v17, v56  }
0x7d: {  	p0 =	sne.s32 s1, $0x4;
	v61 =	vunpack.i.u.bf16.f32 v52;
	v6 =	vadd.f32 v60, v7;
	v2 =	vadd.f32 v2, v3  }
.Ltmp3:
0x7e: {  	s17 =	sand.u32 $0x3FFFFFC0, s19;
	v63 =	vunpack.i.l.bf16.f32 v1;
	v3 =	vadd.f32 v61, v4;
	v62 =	vadd.f32 v15, v59;
	(pc) =	sbr.rel @p0 .LBB2_3-.Ltmp3, $4  }
0x7f: {  	v1 =	vunpack.i.u.bf16.f32 v1;
	v5 =	vadd.f32 v63, v6;
	[tilespmem:v0+s17+$0x0 ss:$0x1] =	vst.idx.msk $0xffff, v2  }
0x80: {  	v1 =	vadd.f32 v1, v3;
	[tilespmem:v0+s17+$0x10 ss:$0x1] =	vst.idx.msk $0xffff, v62  }
0x81: {  	[tilespmem:v0+s17+$0x20 ss:$0x1] =	vst.idx.msk $0xffff, v5  }
0x82: {  	s16 =	sadd.s32 $0x700, s16;
	[tilespmem:v0+s17+$0x30 ss:$0x1] =	vst.idx.msk $0xffff, v1  }
0x83: {  	s1 =	sshll.u32 s24, $0x1  }
0x84: {  	p0 =	seq.s32 s24, $0xF;
	s16 =	sadd.s32 $0x2, s1  }
0x85: {  	s16 =	smul.u32 @!p0 $0x380, s16;
	_ =	sdelay $0x1  }
0x86: {  	s16 =	sshra.s32 @!p0 s16, $0x2  }
0x87: {  	s18 =	simm.s32 @!p0 $0xE0;
	s19 =	simm.s32 @!p0 $0x5900;
	s17 =	sadd.s32 @!p0 $0x2100, s16  }
0x88: {  	[tilespmem:s19], [sflag:$0x3] =	stream.indirect.gather @!p0 [hbm4b:s4+s18], $0x20, s17, s18, $0xb8;
	[tilespmem:$0x10900] =	vst v63  }
0x89: {  	_ =	swait.ge [sflag:s29], $0x1C00  }
0x8a: {  	s19 =	sadd.s32 $0xE900, s0;
	[sflag:s29] =	ssyncset.done $0x0  }
0x8b: {  	s0 =	simm.s32 $0x0;
	s17 =	simm.s32 $0x9180;
	v0 =	vmov s19;
	[sflag:s29] =	ssyncadd.s32 $0xFFFFE400  }
.LBB2_7:
0x8c: {  	v1 =	vmov s17;
	_ =	sdelay $0x3  }
0x8d: {  	s18 =	simm.s32 $0x0  }
0x8e: {  	v2 =	vld.idx.msk [tilespmem:v1+s18+$0x60 ss:$0x1], $0xffff  }
0x8f: {  	v5 =	vld.idx.msk [tilespmem:v1+s18+$0x40 ss:$0x1], $0xffff  }
0x90: {  	v4 =	vld.idx.msk [tilespmem:v1+s18+$0x20 ss:$0x1], $0xffff  }
0x91: {  	v12 =	vld.idx.msk [tilespmem:v1+s18+$0x0 ss:$0x1], $0xffff  }
0x92: {  	v6 =	vld.idx.msk [tilespmem:v1+s18+$0xFFFFFFE0 ss:$0x1], $0xffff  }
0x93: {  	v3 =	vld.idx.msk [tilespmem:v1+s18+$0xFFFFFFC0 ss:$0x1], $0xffff  }
0x94: {  	v13 =	vld.idx.msk [tilespmem:v1+s18+$0xFFFFFFA0 ss:$0x1], $0xffff  }
0x95: {  	v8 =	vimm.f32 $0.0e+00;
	v14 =	vld.idx.msk [tilespmem:v1+s18+$0xFFFFFF80 ss:$0x1], $0xffff  }
0x96: {  	s19 =	simm.s32 $0x400;
	v11 =	vimm.f32 $0.0e+00;
	v10 =	vimm.f32 $0.0e+00;
	v9 =	vimm.f32 $0.0e+00;
	v7 =	vld.idx.msk [tilespmem:v1+s18+$0xFFFFFF90 ss:$0x1], $0xffff  }
.LBB2_8:
0x97: {  	p1 =	sne.s32 s19, $0x1800;
	v15 =	vunpack.i.u.bf16.f32 v2;
	v16 =	vunpack.i.l.bf16.f32 v2  }
0x98: {  	v17 =	vunpack.i.u.bf16.f32 v4;
	v18 =	vunpack.i.u.bf16.f32 v5;
	v19 =	vunpack.i.l.bf16.f32 v5;
	v2 =	vld.idx.msk [tilespmem:v1+s18+$0xFFFFFFB0 ss:$0x1], $0xffff  }
0x99: {  	v20 =	vunpack.i.u.bf16.f32 v12;
	v12 =	vunpack.i.l.bf16.f32 v12;
	v21 =	vunpack.i.l.bf16.f32 v4  }
0x9a: {  	v22 =	vunpack.i.u.bf16.f32 v6;
	v6 =	vunpack.i.l.bf16.f32 v6;
	v4 =	vunpack.i.u.bf16.f32 v3;
	v5 =	vld.idx.msk [tilespmem:v1+s18+$0xFFFFFFD0 ss:$0x1], $0xffff  }
0x9b: {  	v3 =	vunpack.i.l.bf16.f32 v3;
	v23 =	vunpack.i.u.bf16.f32 v13;
	v13 =	vunpack.i.l.bf16.f32 v13  }
0x9c: {  	v24 =	vunpack.i.u.bf16.f32 v14;
	v14 =	vunpack.i.l.bf16.f32 v14;
	v25 =	vunpack.i.u.bf16.f32 v7;
	v26 =	vld.idx.msk [tilespmem:v1+s18+$0xFFFFFFF0 ss:$0x1], $0xffff  }
0x9d: {  	v8 =	vadd.f32 v14, v8;
	v11 =	vadd.f32 v24, v11;
	v7 =	vunpack.i.l.bf16.f32 v7  }
0x9e: {  	v7 =	vadd.f32 v7, v10;
	v9 =	vadd.f32 v25, v9;
	v10 =	vunpack.i.u.bf16.f32 v2;
	v14 =	vld.idx.msk [tilespmem:v1+s18+$0x10 ss:$0x1], $0xffff  }
0x9f: {  	v8 =	vadd.f32 v13, v8;
	v11 =	vadd.f32 v23, v11;
	v2 =	vunpack.i.l.bf16.f32 v2  }
0xa0: {  	v2 =	vadd.f32 v2, v7;
	v7 =	vadd.f32 v10, v9;
	v9 =	vunpack.i.u.bf16.f32 v5;
	v10 =	vld.idx.msk [tilespmem:v1+s18+$0x30 ss:$0x1], $0xffff  }
0xa1: {  	v3 =	vadd.f32 v3, v8;
	v4 =	vadd.f32 v4, v11;
	v5 =	vunpack.i.l.bf16.f32 v5  }
0xa2: {  	s5 =	sshra.s32 s19, $0x2;
	v5 =	vadd.f32 v5, v2;
	v7 =	vadd.f32 v9, v7;
	v8 =	vunpack.i.u.bf16.f32 v26;
	v9 =	vld.idx.msk [tilespmem:v1+s18+$0x50 ss:$0x1], $0xffff  }
0xa3: {  	v3 =	vadd.f32 v6, v3;
	v4 =	vadd.f32 v22, v4;
	v6 =	vunpack.i.l.bf16.f32 v26;
	v2 =	vld.idx.msk [tilespmem:v1+s5+$0x60 ss:$0x1], $0xffff  }
0xa4: {  	v6 =	vadd.f32 v6, v5;
	v7 =	vadd.f32 v8, v7;
	v8 =	vunpack.i.u.bf16.f32 v14;
	v22 =	vld.idx.msk [tilespmem:v1+s18+$0x70 ss:$0x1], $0xffff;
	s18 =	smov.u32 s5  }
0xa5: {  	v3 =	vadd.f32 v12, v3;
	v11 =	vadd.f32 v20, v4;
	v12 =	vunpack.i.l.bf16.f32 v14;
	v5 =	vld.idx.msk [tilespmem:v1+s18+$0x40 ss:$0x1], $0xffff  }
0xa6: {  	v13 =	vadd.f32 v12, v6;
	v7 =	vadd.f32 v8, v7;
	v8 =	vunpack.i.u.bf16.f32 v10;
	v4 =	vld.idx.msk [tilespmem:v1+s18+$0x20 ss:$0x1], $0xffff  }
0xa7: {  	v14 =	vadd.f32 v21, v3;
	v11 =	vadd.f32 v17, v11;
	v3 =	vunpack.i.l.bf16.f32 v10;
	v12 =	vld.idx.msk [tilespmem:v1+s18+$0x0 ss:$0x1], $0xffff  }
.Ltmp4:
0xa8: {  	v10 =	vadd.f32 v3, v13;
	v7 =	vadd.f32 v8, v7;
	v8 =	vunpack.i.u.bf16.f32 v9;
	v6 =	vld.idx.msk [tilespmem:v1+s18+$0xFFFFFFE0 ss:$0x1], $0xffff;
	(pc) =	sbr.rel @p1 .LBB2_8-.Ltmp4, $4  }
0xa9: {  	v17 =	vadd.f32 v19, v14;
	v11 =	vadd.f32 v18, v11;
	v9 =	vunpack.i.l.bf16.f32 v9;
	v3 =	vld.idx.msk [tilespmem:v1+s18+$0xFFFFFFC0 ss:$0x1], $0xffff  }
0xaa: {  	v9 =	vadd.f32 v9, v10;
	v18 =	vadd.f32 v8, v7;
	v19 =	vunpack.i.u.bf16.f32 v22;
	v13 =	vld.idx.msk [tilespmem:v1+s18+$0xFFFFFFA0 ss:$0x1], $0xffff  }
0xab: {  	v8 =	vadd.f32 v16, v17;
	v11 =	vadd.f32 v15, v11;
	v10 =	vunpack.i.l.bf16.f32 v22;
	v14 =	vld.idx.msk [tilespmem:v1+s18+$0xFFFFFF80 ss:$0x1], $0xffff  }
0xac: {  	s19 =	sadd.s32 $0x400, s19;
	v10 =	vadd.f32 v10, v9;
	v9 =	vadd.f32 v19, v18;
	v7 =	vld.idx.msk [tilespmem:v1+s18+$0xFFFFFF90 ss:$0x1], $0xffff  }
0xad: {  	_ = 	snop  }
0xae: {  	v15 =	vunpack.i.u.bf16.f32 v2  }
0xaf: {  	v2 =	vunpack.i.l.bf16.f32 v2;
	v16 =	vunpack.i.u.bf16.f32 v4;
	v17 =	vunpack.i.u.bf16.f32 v5  }
0xb0: {  	v31 =	vunpack.i.l.bf16.f32 v5;
	v18 =	vunpack.i.u.bf16.f32 v12;
	v32 =	vunpack.i.l.bf16.f32 v12  }
0xb1: {  	v19 =	vld.idx.msk [tilespmem:v1+s18+$0xFFFFFFB0 ss:$0x1], $0xffff;
	v33 =	vunpack.i.l.bf16.f32 v4;
	v21 =	vunpack.i.u.bf16.f32 v6;
	v34 =	vunpack.i.l.bf16.f32 v6  }
0xb2: {  	v20 =	vunpack.i.u.bf16.f32 v3;
	v3 =	vunpack.i.l.bf16.f32 v3;
	v23 =	vunpack.i.l.bf16.f32 v14  }
0xb3: {  	v24 =	vld.idx.msk [tilespmem:v1+s18+$0xFFFFFFD0 ss:$0x1], $0xffff;
	v22 =	vunpack.i.u.bf16.f32 v13;
	v36 =	vunpack.i.u.bf16.f32 v14;
	v8 =	vadd.f32 v23, v8  }
0xb4: {  	v35 =	vunpack.i.l.bf16.f32 v13;
	v11 =	vadd.f32 v36, v11;
	v37 =	vunpack.i.l.bf16.f32 v7  }
0xb5: {  	v39 =	vld.idx.msk [tilespmem:v1+s18+$0xFFFFFFF0 ss:$0x1], $0xffff;
	v38 =	vunpack.i.u.bf16.f32 v7;
	v10 =	vadd.f32 v37, v10;
	v8 =	vadd.f32 v35, v8  }
0xb6: {  	v7 =	vadd.f32 v38, v9;
	v41 =	vunpack.i.l.bf16.f32 v19;
	v40 =	vadd.f32 v22, v11  }
0xb7: {  	v43 =	vld.idx.msk [tilespmem:v1+s18+$0x10 ss:$0x1], $0xffff;
	v42 =	vunpack.i.u.bf16.f32 v19;
	v10 =	vadd.f32 v41, v10;
	v3 =	vadd.f32 v3, v8  }
0xb8: {  	v45 =	vunpack.i.l.bf16.f32 v24;
	v7 =	vadd.f32 v42, v7;
	v44 =	vadd.f32 v20, v40  }
0xb9: {  	v47 =	vld.idx.msk [tilespmem:v1+s18+$0x30 ss:$0x1], $0xffff;
	v46 =	vunpack.i.u.bf16.f32 v24;
	v9 =	vadd.f32 v45, v10;
	v3 =	vadd.f32 v34, v3  }
0xba: {  	v50 =	vunpack.i.l.bf16.f32 v39;
	v48 =	vadd.f32 v46, v7;
	v49 =	vadd.f32 v21, v44  }
0xbb: {  	v52 =	vld.idx.msk [tilespmem:v1+s18+$0x50 ss:$0x1], $0xffff;
	v51 =	vunpack.i.u.bf16.f32 v39;
	v8 =	vadd.f32 v50, v9;
	v3 =	vadd.f32 v32, v3  }
0xbc: {  	v53 =	vunpack.i.l.bf16.f32 v43;
	v6 =	vadd.f32 v51, v48;
	v7 =	vadd.f32 v18, v49  }
0xbd: {  	v1 =	vld.idx.msk [tilespmem:v1+s18+$0x70 ss:$0x1], $0xffff;
	v54 =	vunpack.i.u.bf16.f32 v43;
	v8 =	vadd.f32 v53, v8;
	v3 =	vadd.f32 v33, v3  }
0xbe: {  	v57 =	vunpack.i.l.bf16.f32 v47;
	v55 =	vadd.f32 v54, v6;
	v56 =	vadd.f32 v16, v7  }
0xbf: {  	v58 =	vunpack.i.u.bf16.f32 v47;
	v7 =	vadd.f32 v57, v8;
	v3 =	vadd.f32 v31, v3  }
0xc0: {  	s5 =	sshll.u32 s0, $0x6;
	s0 =	sadd.s32 $0x1, s0;
	v60 =	vunpack.i.l.bf16.f32 v52;
	v4 =	vadd.f32 v58, v55;
	v59 =	vadd.f32 v17, v56  }
0xc1: {  	p1 =	sne.s32 s0, $0x4;
	v61 =	vunpack.i.u.bf16.f32 v52;
	v6 =	vadd.f32 v60, v7;
	v2 =	vadd.f32 v2, v3  }
.Ltmp5:
0xc2: {  	s5 =	sand.u32 $0x3FFFFFC0, s5;
	v63 =	vunpack.i.l.bf16.f32 v1;
	v3 =	vadd.f32 v61, v4;
	v62 =	vadd.f32 v15, v59;
	(pc) =	sbr.rel @p1 .LBB2_7-.Ltmp5, $4  }
0xc3: {  	v1 =	vunpack.i.u.bf16.f32 v1;
	v5 =	vadd.f32 v63, v6;
	[tilespmem:v0+s5+$0x0 ss:$0x1] =	vst.idx.msk $0xffff, v2  }
0xc4: {  	v1 =	vadd.f32 v1, v3;
	[tilespmem:v0+s5+$0x10 ss:$0x1] =	vst.idx.msk $0xffff, v62  }
0xc5: {  	[tilespmem:v0+s5+$0x20 ss:$0x1] =	vst.idx.msk $0xffff, v5  }
0xc6: {  	s17 =	sadd.s32 $0x700, s17;
	[tilespmem:v0+s5+$0x30 ss:$0x1] =	vst.idx.msk $0xffff, v1  }
0xc7: {  	s0 =	sadd.s32 @!p0 $0x3D00, s16  }
0xc8: {  	s5 =	simm.s32 @!p0 $0xE0;
	s16 =	simm.s32 @!p0 $0x9100;
	s18 =	sor.u32 $0x400, s25  }
0xc9: {  	[tilespmem:s16], [sflag:$0x5] =	stream.indirect.gather @!p0 [hbm4b:s3+s5], $0x20, s0, s5, $0xb8;
	[tilespmem:$0x10900] =	vst v63  }
0xca: {  	s25 =	sshra.s32 s18, $0x2;
	_ =	swait.ge [sflag:s30], $0x1C00  }
0xcb: {  	s19 =	sadd.s32 $0xC900, s25;
	[sflag:s30] =	ssyncset.done $0x0  }
0xcc: {  	s0 =	simm.s32 $0x0;
	s16 =	simm.s32 $0x7580;
	v0 =	vmov s19;
	[sflag:s30] =	ssyncadd.s32 $0xFFFFE400  }
.LBB2_11:
0xcd: {  	v1 =	vmov s16;
	_ =	sdelay $0x3  }
0xce: {  	s17 =	simm.s32 $0x0  }
0xcf: {  	v2 =	vld.idx.msk [tilespmem:v1+s17+$0x60 ss:$0x1], $0xffff  }
0xd0: {  	v5 =	vld.idx.msk [tilespmem:v1+s17+$0x40 ss:$0x1], $0xffff  }
0xd1: {  	v4 =	vld.idx.msk [tilespmem:v1+s17+$0x20 ss:$0x1], $0xffff  }
0xd2: {  	v12 =	vld.idx.msk [tilespmem:v1+s17+$0x0 ss:$0x1], $0xffff  }
0xd3: {  	v6 =	vld.idx.msk [tilespmem:v1+s17+$0xFFFFFFE0 ss:$0x1], $0xffff  }
0xd4: {  	v3 =	vld.idx.msk [tilespmem:v1+s17+$0xFFFFFFC0 ss:$0x1], $0xffff  }
0xd5: {  	v13 =	vld.idx.msk [tilespmem:v1+s17+$0xFFFFFFA0 ss:$0x1], $0xffff  }
0xd6: {  	v8 =	vimm.f32 $0.0e+00;
	v14 =	vld.idx.msk [tilespmem:v1+s17+$0xFFFFFF80 ss:$0x1], $0xffff  }
0xd7: {  	s18 =	simm.s32 $0x400;
	v11 =	vimm.f32 $0.0e+00;
	v10 =	vimm.f32 $0.0e+00;
	v9 =	vimm.f32 $0.0e+00;
	v7 =	vld.idx.msk [tilespmem:v1+s17+$0xFFFFFF90 ss:$0x1], $0xffff  }
.LBB2_12:
0xd8: {  	p1 =	sne.s32 s18, $0x1800;
	v15 =	vunpack.i.u.bf16.f32 v2;
	v16 =	vunpack.i.l.bf16.f32 v2  }
0xd9: {  	v17 =	vunpack.i.u.bf16.f32 v4;
	v18 =	vunpack.i.u.bf16.f32 v5;
	v19 =	vunpack.i.l.bf16.f32 v5;
	v2 =	vld.idx.msk [tilespmem:v1+s17+$0xFFFFFFB0 ss:$0x1], $0xffff  }
0xda: {  	v20 =	vunpack.i.u.bf16.f32 v12;
	v12 =	vunpack.i.l.bf16.f32 v12;
	v21 =	vunpack.i.l.bf16.f32 v4  }
0xdb: {  	v22 =	vunpack.i.u.bf16.f32 v6;
	v6 =	vunpack.i.l.bf16.f32 v6;
	v4 =	vunpack.i.u.bf16.f32 v3;
	v5 =	vld.idx.msk [tilespmem:v1+s17+$0xFFFFFFD0 ss:$0x1], $0xffff  }
0xdc: {  	v3 =	vunpack.i.l.bf16.f32 v3;
	v23 =	vunpack.i.u.bf16.f32 v13;
	v13 =	vunpack.i.l.bf16.f32 v13  }
0xdd: {  	v24 =	vunpack.i.u.bf16.f32 v14;
	v14 =	vunpack.i.l.bf16.f32 v14;
	v25 =	vunpack.i.u.bf16.f32 v7;
	v26 =	vld.idx.msk [tilespmem:v1+s17+$0xFFFFFFF0 ss:$0x1], $0xffff  }
0xde: {  	v8 =	vadd.f32 v14, v8;
	v11 =	vadd.f32 v24, v11;
	v7 =	vunpack.i.l.bf16.f32 v7  }
0xdf: {  	v7 =	vadd.f32 v7, v10;
	v9 =	vadd.f32 v25, v9;
	v10 =	vunpack.i.u.bf16.f32 v2;
	v14 =	vld.idx.msk [tilespmem:v1+s17+$0x10 ss:$0x1], $0xffff  }
0xe0: {  	v8 =	vadd.f32 v13, v8;
	v11 =	vadd.f32 v23, v11;
	v2 =	vunpack.i.l.bf16.f32 v2  }
0xe1: {  	v2 =	vadd.f32 v2, v7;
	v7 =	vadd.f32 v10, v9;
	v9 =	vunpack.i.u.bf16.f32 v5;
	v10 =	vld.idx.msk [tilespmem:v1+s17+$0x30 ss:$0x1], $0xffff  }
0xe2: {  	v3 =	vadd.f32 v3, v8;
	v4 =	vadd.f32 v4, v11;
	v5 =	vunpack.i.l.bf16.f32 v5  }
0xe3: {  	s5 =	sshra.s32 s18, $0x2;
	v5 =	vadd.f32 v5, v2;
	v7 =	vadd.f32 v9, v7;
	v8 =	vunpack.i.u.bf16.f32 v26;
	v9 =	vld.idx.msk [tilespmem:v1+s17+$0x50 ss:$0x1], $0xffff  }
0xe4: {  	v3 =	vadd.f32 v6, v3;
	v4 =	vadd.f32 v22, v4;
	v6 =	vunpack.i.l.bf16.f32 v26;
	v2 =	vld.idx.msk [tilespmem:v1+s5+$0x60 ss:$0x1], $0xffff  }
0xe5: {  	v6 =	vadd.f32 v6, v5;
	v7 =	vadd.f32 v8, v7;
	v8 =	vunpack.i.u.bf16.f32 v14;
	v22 =	vld.idx.msk [tilespmem:v1+s17+$0x70 ss:$0x1], $0xffff;
	s17 =	smov.u32 s5  }
0xe6: {  	v3 =	vadd.f32 v12, v3;
	v11 =	vadd.f32 v20, v4;
	v12 =	vunpack.i.l.bf16.f32 v14;
	v5 =	vld.idx.msk [tilespmem:v1+s17+$0x40 ss:$0x1], $0xffff  }
0xe7: {  	v13 =	vadd.f32 v12, v6;
	v7 =	vadd.f32 v8, v7;
	v8 =	vunpack.i.u.bf16.f32 v10;
	v4 =	vld.idx.msk [tilespmem:v1+s17+$0x20 ss:$0x1], $0xffff  }
0xe8: {  	v14 =	vadd.f32 v21, v3;
	v11 =	vadd.f32 v17, v11;
	v3 =	vunpack.i.l.bf16.f32 v10;
	v12 =	vld.idx.msk [tilespmem:v1+s17+$0x0 ss:$0x1], $0xffff  }
.Ltmp6:
0xe9: {  	v10 =	vadd.f32 v3, v13;
	v7 =	vadd.f32 v8, v7;
	v8 =	vunpack.i.u.bf16.f32 v9;
	v6 =	vld.idx.msk [tilespmem:v1+s17+$0xFFFFFFE0 ss:$0x1], $0xffff;
	(pc) =	sbr.rel @p1 .LBB2_12-.Ltmp6, $4  }
0xea: {  	v17 =	vadd.f32 v19, v14;
	v11 =	vadd.f32 v18, v11;
	v9 =	vunpack.i.l.bf16.f32 v9;
	v3 =	vld.idx.msk [tilespmem:v1+s17+$0xFFFFFFC0 ss:$0x1], $0xffff  }
0xeb: {  	v9 =	vadd.f32 v9, v10;
	v18 =	vadd.f32 v8, v7;
	v19 =	vunpack.i.u.bf16.f32 v22;
	v13 =	vld.idx.msk [tilespmem:v1+s17+$0xFFFFFFA0 ss:$0x1], $0xffff  }
0xec: {  	v8 =	vadd.f32 v16, v17;
	v11 =	vadd.f32 v15, v11;
	v10 =	vunpack.i.l.bf16.f32 v22;
	v14 =	vld.idx.msk [tilespmem:v1+s17+$0xFFFFFF80 ss:$0x1], $0xffff  }
0xed: {  	s18 =	sadd.s32 $0x400, s18;
	v10 =	vadd.f32 v10, v9;
	v9 =	vadd.f32 v19, v18;
	v7 =	vld.idx.msk [tilespmem:v1+s17+$0xFFFFFF90 ss:$0x1], $0xffff  }
0xee: {  	_ = 	snop  }
0xef: {  	v15 =	vunpack.i.u.bf16.f32 v2  }
0xf0: {  	v2 =	vunpack.i.l.bf16.f32 v2;
	v16 =	vunpack.i.u.bf16.f32 v4;
	v17 =	vunpack.i.u.bf16.f32 v5  }
0xf1: {  	v31 =	vunpack.i.l.bf16.f32 v5;
	v18 =	vunpack.i.u.bf16.f32 v12;
	v32 =	vunpack.i.l.bf16.f32 v12  }
0xf2: {  	v19 =	vld.idx.msk [tilespmem:v1+s17+$0xFFFFFFB0 ss:$0x1], $0xffff;
	v33 =	vunpack.i.l.bf16.f32 v4;
	v21 =	vunpack.i.u.bf16.f32 v6;
	v34 =	vunpack.i.l.bf16.f32 v6  }
0xf3: {  	v20 =	vunpack.i.u.bf16.f32 v3;
	v3 =	vunpack.i.l.bf16.f32 v3;
	v23 =	vunpack.i.l.bf16.f32 v14  }
0xf4: {  	v24 =	vld.idx.msk [tilespmem:v1+s17+$0xFFFFFFD0 ss:$0x1], $0xffff;
	v22 =	vunpack.i.u.bf16.f32 v13;
	v36 =	vunpack.i.u.bf16.f32 v14;
	v8 =	vadd.f32 v23, v8  }
0xf5: {  	v35 =	vunpack.i.l.bf16.f32 v13;
	v11 =	vadd.f32 v36, v11;
	v37 =	vunpack.i.l.bf16.f32 v7  }
0xf6: {  	v39 =	vld.idx.msk [tilespmem:v1+s17+$0xFFFFFFF0 ss:$0x1], $0xffff;
	v38 =	vunpack.i.u.bf16.f32 v7;
	v10 =	vadd.f32 v37, v10;
	v8 =	vadd.f32 v35, v8  }
0xf7: {  	v7 =	vadd.f32 v38, v9;
	v41 =	vunpack.i.l.bf16.f32 v19;
	v40 =	vadd.f32 v22, v11  }
0xf8: {  	v43 =	vld.idx.msk [tilespmem:v1+s17+$0x10 ss:$0x1], $0xffff;
	v42 =	vunpack.i.u.bf16.f32 v19;
	v10 =	vadd.f32 v41, v10;
	v3 =	vadd.f32 v3, v8  }
0xf9: {  	v45 =	vunpack.i.l.bf16.f32 v24;
	v7 =	vadd.f32 v42, v7;
	v44 =	vadd.f32 v20, v40  }
0xfa: {  	v47 =	vld.idx.msk [tilespmem:v1+s17+$0x30 ss:$0x1], $0xffff;
	v46 =	vunpack.i.u.bf16.f32 v24;
	v9 =	vadd.f32 v45, v10;
	v3 =	vadd.f32 v34, v3  }
0xfb: {  	v50 =	vunpack.i.l.bf16.f32 v39;
	v48 =	vadd.f32 v46, v7;
	v49 =	vadd.f32 v21, v44  }
0xfc: {  	v52 =	vld.idx.msk [tilespmem:v1+s17+$0x50 ss:$0x1], $0xffff;
	v51 =	vunpack.i.u.bf16.f32 v39;
	v8 =	vadd.f32 v50, v9;
	v3 =	vadd.f32 v32, v3  }
0xfd: {  	v53 =	vunpack.i.l.bf16.f32 v43;
	v6 =	vadd.f32 v51, v48;
	v7 =	vadd.f32 v18, v49  }
0xfe: {  	v1 =	vld.idx.msk [tilespmem:v1+s17+$0x70 ss:$0x1], $0xffff;
	v54 =	vunpack.i.u.bf16.f32 v43;
	v8 =	vadd.f32 v53, v8;
	v3 =	vadd.f32 v33, v3  }
0xff: {  	v57 =	vunpack.i.l.bf16.f32 v47;
	v55 =	vadd.f32 v54, v6;
	v56 =	vadd.f32 v16, v7  }
0x100: {  	v58 =	vunpack.i.u.bf16.f32 v47;
	v7 =	vadd.f32 v57, v8;
	v3 =	vadd.f32 v31, v3  }
0x101: {  	s5 =	sshll.u32 s0, $0x6;
	s0 =	sadd.s32 $0x1, s0;
	v60 =	vunpack.i.l.bf16.f32 v52;
	v4 =	vadd.f32 v58, v55;
	v59 =	vadd.f32 v17, v56  }
0x102: {  	p1 =	sne.s32 s0, $0x4;
	v61 =	vunpack.i.u.bf16.f32 v52;
	v6 =	vadd.f32 v60, v7;
	v2 =	vadd.f32 v2, v3  }
.Ltmp7:
0x103: {  	s5 =	sand.u32 $0x3FFFFFC0, s5;
	v63 =	vunpack.i.l.bf16.f32 v1;
	v3 =	vadd.f32 v61, v4;
	v62 =	vadd.f32 v15, v59;
	(pc) =	sbr.rel @p1 .LBB2_11-.Ltmp7, $4  }
0x104: {  	v1 =	vunpack.i.u.bf16.f32 v1;
	v5 =	vadd.f32 v63, v6;
	[tilespmem:v0+s5+$0x0 ss:$0x1] =	vst.idx.msk $0xffff, v2  }
0x105: {  	v1 =	vadd.f32 v1, v3;
	[tilespmem:v0+s5+$0x10 ss:$0x1] =	vst.idx.msk $0xffff, v62  }
0x106: {  	[tilespmem:v0+s5+$0x20 ss:$0x1] =	vst.idx.msk $0xffff, v5  }
0x107: {  	s16 =	sadd.s32 $0x700, s16;
	[tilespmem:v0+s5+$0x30 ss:$0x1] =	vst.idx.msk $0xffff, v1  }
0x108: {  	s0 =	sadd.s32 $0x3, s1  }
0x109: {  	s1 =	smul.u32 @!p0 $0x380, s0;
	_ =	sdelay $0x1  }
0x10a: {  	s1 =	sshra.s32 @!p0 s1, $0x2  }
0x10b: {  	s5 =	simm.s32 @!p0 $0xE0;
	s16 =	simm.s32 @!p0 $0x7500;
	s1 =	sadd.s32 @!p0 $0x2100, s1  }
0x10c: {  	[tilespmem:s16], [sflag:$0x4] =	stream.indirect.gather @!p0 [hbm4b:s4+s5], $0x20, s1, s5, $0xb8;
	[tilespmem:$0x10900] =	vst v63  }
0x10d: {  	_ =	swait.ge [sflag:s31], $0x1C00  }
0x10e: {  	s25 =	sadd.s32 $0xE900, s25;
	[sflag:s31] =	ssyncset.done $0x0  }
0x10f: {  	v0 =	vmov s25;
	s1 =	simm.s32 $0x0;
	s16 =	simm.s32 $0xAD80;
	[sflag:s31] =	ssyncadd.s32 $0xFFFFE400  }
.LBB2_15:
0x110: {  	v1 =	vmov s16;
	_ =	sdelay $0x3  }
0x111: {  	s17 =	simm.s32 $0x0  }
0x112: {  	v2 =	vld.idx.msk [tilespmem:v1+s17+$0x60 ss:$0x1], $0xffff  }
0x113: {  	v5 =	vld.idx.msk [tilespmem:v1+s17+$0x40 ss:$0x1], $0xffff  }
0x114: {  	v4 =	vld.idx.msk [tilespmem:v1+s17+$0x20 ss:$0x1], $0xffff  }
0x115: {  	v12 =	vld.idx.msk [tilespmem:v1+s17+$0x0 ss:$0x1], $0xffff  }
0x116: {  	v6 =	vld.idx.msk [tilespmem:v1+s17+$0xFFFFFFE0 ss:$0x1], $0xffff  }
0x117: {  	v3 =	vld.idx.msk [tilespmem:v1+s17+$0xFFFFFFC0 ss:$0x1], $0xffff  }
0x118: {  	v13 =	vld.idx.msk [tilespmem:v1+s17+$0xFFFFFFA0 ss:$0x1], $0xffff  }
0x119: {  	v8 =	vimm.f32 $0.0e+00;
	v14 =	vld.idx.msk [tilespmem:v1+s17+$0xFFFFFF80 ss:$0x1], $0xffff  }
0x11a: {  	s18 =	simm.s32 $0x400;
	v11 =	vimm.f32 $0.0e+00;
	v10 =	vimm.f32 $0.0e+00;
	v9 =	vimm.f32 $0.0e+00;
	v7 =	vld.idx.msk [tilespmem:v1+s17+$0xFFFFFF90 ss:$0x1], $0xffff  }
.LBB2_16:
0x11b: {  	p1 =	sne.s32 s18, $0x1800;
	v15 =	vunpack.i.u.bf16.f32 v2;
	v16 =	vunpack.i.l.bf16.f32 v2  }
0x11c: {  	v17 =	vunpack.i.u.bf16.f32 v4;
	v18 =	vunpack.i.u.bf16.f32 v5;
	v19 =	vunpack.i.l.bf16.f32 v5;
	v2 =	vld.idx.msk [tilespmem:v1+s17+$0xFFFFFFB0 ss:$0x1], $0xffff  }
0x11d: {  	v20 =	vunpack.i.u.bf16.f32 v12;
	v12 =	vunpack.i.l.bf16.f32 v12;
	v21 =	vunpack.i.l.bf16.f32 v4  }
0x11e: {  	v22 =	vunpack.i.u.bf16.f32 v6;
	v6 =	vunpack.i.l.bf16.f32 v6;
	v4 =	vunpack.i.u.bf16.f32 v3;
	v5 =	vld.idx.msk [tilespmem:v1+s17+$0xFFFFFFD0 ss:$0x1], $0xffff  }
0x11f: {  	v3 =	vunpack.i.l.bf16.f32 v3;
	v23 =	vunpack.i.u.bf16.f32 v13;
	v13 =	vunpack.i.l.bf16.f32 v13  }
0x120: {  	v24 =	vunpack.i.u.bf16.f32 v14;
	v14 =	vunpack.i.l.bf16.f32 v14;
	v25 =	vunpack.i.u.bf16.f32 v7;
	v26 =	vld.idx.msk [tilespmem:v1+s17+$0xFFFFFFF0 ss:$0x1], $0xffff  }
0x121: {  	v8 =	vadd.f32 v14, v8;
	v11 =	vadd.f32 v24, v11;
	v7 =	vunpack.i.l.bf16.f32 v7  }
0x122: {  	v7 =	vadd.f32 v7, v10;
	v9 =	vadd.f32 v25, v9;
	v10 =	vunpack.i.u.bf16.f32 v2;
	v14 =	vld.idx.msk [tilespmem:v1+s17+$0x10 ss:$0x1], $0xffff  }
0x123: {  	v8 =	vadd.f32 v13, v8;
	v11 =	vadd.f32 v23, v11;
	v2 =	vunpack.i.l.bf16.f32 v2  }
0x124: {  	v2 =	vadd.f32 v2, v7;
	v7 =	vadd.f32 v10, v9;
	v9 =	vunpack.i.u.bf16.f32 v5;
	v10 =	vld.idx.msk [tilespmem:v1+s17+$0x30 ss:$0x1], $0xffff  }
0x125: {  	v3 =	vadd.f32 v3, v8;
	v4 =	vadd.f32 v4, v11;
	v5 =	vunpack.i.l.bf16.f32 v5  }
0x126: {  	s5 =	sshra.s32 s18, $0x2;
	v5 =	vadd.f32 v5, v2;
	v7 =	vadd.f32 v9, v7;
	v8 =	vunpack.i.u.bf16.f32 v26;
	v9 =	vld.idx.msk [tilespmem:v1+s17+$0x50 ss:$0x1], $0xffff  }
0x127: {  	v3 =	vadd.f32 v6, v3;
	v4 =	vadd.f32 v22, v4;
	v6 =	vunpack.i.l.bf16.f32 v26;
	v2 =	vld.idx.msk [tilespmem:v1+s5+$0x60 ss:$0x1], $0xffff  }
0x128: {  	v6 =	vadd.f32 v6, v5;
	v7 =	vadd.f32 v8, v7;
	v8 =	vunpack.i.u.bf16.f32 v14;
	v22 =	vld.idx.msk [tilespmem:v1+s17+$0x70 ss:$0x1], $0xffff;
	s17 =	smov.u32 s5  }
0x129: {  	v3 =	vadd.f32 v12, v3;
	v11 =	vadd.f32 v20, v4;
	v12 =	vunpack.i.l.bf16.f32 v14;
	v5 =	vld.idx.msk [tilespmem:v1+s17+$0x40 ss:$0x1], $0xffff  }
0x12a: {  	v13 =	vadd.f32 v12, v6;
	v7 =	vadd.f32 v8, v7;
	v8 =	vunpack.i.u.bf16.f32 v10;
	v4 =	vld.idx.msk [tilespmem:v1+s17+$0x20 ss:$0x1], $0xffff  }
0x12b: {  	v14 =	vadd.f32 v21, v3;
	v11 =	vadd.f32 v17, v11;
	v3 =	vunpack.i.l.bf16.f32 v10;
	v12 =	vld.idx.msk [tilespmem:v1+s17+$0x0 ss:$0x1], $0xffff  }
.Ltmp8:
0x12c: {  	v10 =	vadd.f32 v3, v13;
	v7 =	vadd.f32 v8, v7;
	v8 =	vunpack.i.u.bf16.f32 v9;
	v6 =	vld.idx.msk [tilespmem:v1+s17+$0xFFFFFFE0 ss:$0x1], $0xffff;
	(pc) =	sbr.rel @p1 .LBB2_16-.Ltmp8, $4  }
0x12d: {  	v17 =	vadd.f32 v19, v14;
	v11 =	vadd.f32 v18, v11;
	v9 =	vunpack.i.l.bf16.f32 v9;
	v3 =	vld.idx.msk [tilespmem:v1+s17+$0xFFFFFFC0 ss:$0x1], $0xffff  }
0x12e: {  	v9 =	vadd.f32 v9, v10;
	v18 =	vadd.f32 v8, v7;
	v19 =	vunpack.i.u.bf16.f32 v22;
	v13 =	vld.idx.msk [tilespmem:v1+s17+$0xFFFFFFA0 ss:$0x1], $0xffff  }
0x12f: {  	v8 =	vadd.f32 v16, v17;
	v11 =	vadd.f32 v15, v11;
	v10 =	vunpack.i.l.bf16.f32 v22;
	v14 =	vld.idx.msk [tilespmem:v1+s17+$0xFFFFFF80 ss:$0x1], $0xffff  }
0x130: {  	s18 =	sadd.s32 $0x400, s18;
	v10 =	vadd.f32 v10, v9;
	v9 =	vadd.f32 v19, v18;
	v7 =	vld.idx.msk [tilespmem:v1+s17+$0xFFFFFF90 ss:$0x1], $0xffff  }
0x131: {  	_ = 	snop  }
0x132: {  	v15 =	vunpack.i.u.bf16.f32 v2  }
0x133: {  	v2 =	vunpack.i.l.bf16.f32 v2;
	v16 =	vunpack.i.u.bf16.f32 v4;
	v17 =	vunpack.i.u.bf16.f32 v5  }
0x134: {  	v31 =	vunpack.i.l.bf16.f32 v5;
	v18 =	vunpack.i.u.bf16.f32 v12;
	v32 =	vunpack.i.l.bf16.f32 v12  }
0x135: {  	v19 =	vld.idx.msk [tilespmem:v1+s17+$0xFFFFFFB0 ss:$0x1], $0xffff;
	v33 =	vunpack.i.l.bf16.f32 v4;
	v21 =	vunpack.i.u.bf16.f32 v6;
	v34 =	vunpack.i.l.bf16.f32 v6  }
0x136: {  	v20 =	vunpack.i.u.bf16.f32 v3;
	v3 =	vunpack.i.l.bf16.f32 v3;
	v23 =	vunpack.i.l.bf16.f32 v14  }
0x137: {  	v24 =	vld.idx.msk [tilespmem:v1+s17+$0xFFFFFFD0 ss:$0x1], $0xffff;
	v22 =	vunpack.i.u.bf16.f32 v13;
	v36 =	vunpack.i.u.bf16.f32 v14;
	v8 =	vadd.f32 v23, v8  }
0x138: {  	v35 =	vunpack.i.l.bf16.f32 v13;
	v11 =	vadd.f32 v36, v11;
	v37 =	vunpack.i.l.bf16.f32 v7  }
0x139: {  	v39 =	vld.idx.msk [tilespmem:v1+s17+$0xFFFFFFF0 ss:$0x1], $0xffff;
	v38 =	vunpack.i.u.bf16.f32 v7;
	v10 =	vadd.f32 v37, v10;
	v8 =	vadd.f32 v35, v8  }
0x13a: {  	v7 =	vadd.f32 v38, v9;
	v41 =	vunpack.i.l.bf16.f32 v19;
	v40 =	vadd.f32 v22, v11  }
0x13b: {  	v43 =	vld.idx.msk [tilespmem:v1+s17+$0x10 ss:$0x1], $0xffff;
	v42 =	vunpack.i.u.bf16.f32 v19;
	v10 =	vadd.f32 v41, v10;
	v3 =	vadd.f32 v3, v8  }
0x13c: {  	v45 =	vunpack.i.l.bf16.f32 v24;
	v7 =	vadd.f32 v42, v7;
	v44 =	vadd.f32 v20, v40  }
0x13d: {  	v47 =	vld.idx.msk [tilespmem:v1+s17+$0x30 ss:$0x1], $0xffff;
	v46 =	vunpack.i.u.bf16.f32 v24;
	v9 =	vadd.f32 v45, v10;
	v3 =	vadd.f32 v34, v3  }
0x13e: {  	v50 =	vunpack.i.l.bf16.f32 v39;
	v48 =	vadd.f32 v46, v7;
	v49 =	vadd.f32 v21, v44  }
0x13f: {  	v52 =	vld.idx.msk [tilespmem:v1+s17+$0x50 ss:$0x1], $0xffff;
	v51 =	vunpack.i.u.bf16.f32 v39;
	v8 =	vadd.f32 v50, v9;
	v3 =	vadd.f32 v32, v3  }
0x140: {  	v53 =	vunpack.i.l.bf16.f32 v43;
	v6 =	vadd.f32 v51, v48;
	v7 =	vadd.f32 v18, v49  }
0x141: {  	v1 =	vld.idx.msk [tilespmem:v1+s17+$0x70 ss:$0x1], $0xffff;
	v54 =	vunpack.i.u.bf16.f32 v43;
	v8 =	vadd.f32 v53, v8;
	v3 =	vadd.f32 v33, v3  }
0x142: {  	v57 =	vunpack.i.l.bf16.f32 v47;
	v55 =	vadd.f32 v54, v6;
	v56 =	vadd.f32 v16, v7  }
0x143: {  	v58 =	vunpack.i.u.bf16.f32 v47;
	v7 =	vadd.f32 v57, v8;
	v3 =	vadd.f32 v31, v3  }
0x144: {  	s5 =	sshll.u32 s1, $0x6;
	s1 =	sadd.s32 $0x1, s1;
	v60 =	vunpack.i.l.bf16.f32 v52;
	v4 =	vadd.f32 v58, v55;
	v59 =	vadd.f32 v17, v56  }
0x145: {  	p1 =	sne.s32 s1, $0x4;
	v61 =	vunpack.i.u.bf16.f32 v52;
	v6 =	vadd.f32 v60, v7;
	v2 =	vadd.f32 v2, v3  }
.Ltmp9:
0x146: {  	s5 =	sand.u32 $0x3FFFFFC0, s5;
	v63 =	vunpack.i.l.bf16.f32 v1;
	v3 =	vadd.f32 v61, v4;
	v62 =	vadd.f32 v15, v59;
	(pc) =	sbr.rel @p1 .LBB2_15-.Ltmp9, $4  }
0x147: {  	v1 =	vunpack.i.u.bf16.f32 v1;
	v5 =	vadd.f32 v63, v6;
	[tilespmem:v0+s5+$0x0 ss:$0x1] =	vst.idx.msk $0xffff, v2  }
0x148: {  	v1 =	vadd.f32 v1, v3;
	[tilespmem:v0+s5+$0x10 ss:$0x1] =	vst.idx.msk $0xffff, v62  }
0x149: {  	[tilespmem:v0+s5+$0x20 ss:$0x1] =	vst.idx.msk $0xffff, v5  }
0x14a: {  	s16 =	sadd.s32 $0x700, s16;
	[tilespmem:v0+s5+$0x30 ss:$0x1] =	vst.idx.msk $0xffff, v1  }
.Ltmp10:
0x14b: {  	(pc) =	sbr.rel @p0 .LBB2_20-.Ltmp10, $1  }
0x14c: {  	_ =	sdelay $0x3  }
0x14d: {  	s0 =	smul.u32 $0x380, s0  }
.Ltmp11:
0x14e: {  	_ = 	snop;
	(pc) =	sbr.rel .LBB2_2-.Ltmp11, $4  }
0x14f: {  	_ = 	snop  }
0x150: {  	s0 =	sshra.s32 s0, $0x2  }
0x151: {  	s24 =	sadd.s32 $0x1, s24;
	s0 =	sadd.s32 $0x3D00, s0  }
0x152: {  	[tilespmem:s26], [sflag:$0x6] =	stream.indirect.gather [hbm4b:s3+s20], $0x20, s0, s20, $0xb8;
	[tilespmem:$0x10900] =	vst v63  }
.LBB2_21:
0x153: {  	_ =	sfence.sel $0x180000  }
0x154: {  	[bflag:$0x0] =	sbarrier.arrive $0xFFFF  }
0x155: {  	_ =	strace $0x90000047  }
0x156: {  	s0 =	stileid.u32;
	[bflag:$0x2] =	sbarrier.arrive $0xFFFF  }
0x157: {  	p0 =	sne.s32 s0, $0x0;
	s0 =	rddreg [dreg:$0x2]  }
0x158: {  	s0 =	sadd.s32 @!p0 $0x100000, s0  }
0x159: {  	[sflag:s0] =	ssyncadd.tile.s32 @!p0 $0x1;
	_ =	shalt  }
.Lfunc_end2:
_tile_overlayer_lowered:
.L_overlay_start_2:
0x15a: {  	(tag) =	ssettag $0x2  }
0x15b: {  	s0 =	rddreg [dreg:$0x0];
	s2 =	stileid.u32  }
0x15c: {  	s1 =	rddreg [dreg:$0x1];
	p0 =	sne.s32 s2, $0x0  }
0x15d: {  	s3 =	rddreg [dreg:$0x2];
	[bflag:$0x3] =	sbarrier.arrive $0xFFFF;
	s2 =	simm.s32 @!p0 $0x1C07  }
0x15e: {  	[timem:s3], [sflag:s2] =	dma.local @!p0 [hbm:s0], s1  }
0x15f: {  	s0 =	simm.s32 @!p0 $0x7  }
0x160: {  	_ =	swait.ge @!p0 [sflag:s0], s1  }
0x161: {  	s1 =	ssub.s32 @!p0 $0x0, s1;
	[sflag:s0] =	ssyncset.done @!p0 $0x0  }
0x162: {  	[sflag:s0] =	ssyncadd.s32 @!p0 s1  }
0x163: {  	[bflag:$0x3] =	sbarrier.arrive $0xFFFF  }
0x164: {  	_ =	shalt  }

</sc_bundles>
